<compile_context>
chip_gen: v7x
topology: tpu7x:2x2x1
jax: 0.10.2.dev20260603
libtpu: 0.0.44.dev20260713+nightly
codegen_flags: <defaults>
</compile_context>

<pallas_src>
import functools

import jax
import jax.numpy as jnp
from jax import lax
from jax.experimental import pallas as pl
from jax.experimental.pallas import tpu as pltpu
from jax.experimental.pallas import tpu_sc as plsc

N = 10000
D = 128
E = 320000

NC = 2
NS = 16
NW = NC * NS
EPW = E // NW
CH = 80
ITERS = EPW // CH
NP = 10240
RPS = NP // NS
ZR = 128

ROW_BLK = 1000


def _dot_t(a, w):
    return lax.dot_general(a.astype(jnp.bfloat16), w.astype(jnp.bfloat16),
                           (((1,), (1,)), ((), ())),
                           preferred_element_type=jnp.float32)


def _sigmoid(v):
    return 1.0 / (1.0 + jnp.exp(-v))


def _mnet_body(x_ref, win_ref, bin_ref, wh_ref, bh_ref, wout_ref, o_ref):
    h = jax.nn.relu(_dot_t(x_ref[...], win_ref[...]) + bin_ref[...])
    h = h + jax.nn.relu(_dot_t(h, wh_ref[0]) + bh_ref[0])
    h = h + jax.nn.relu(_dot_t(h, wh_ref[1]) + bh_ref[1])
    o_ref[...] = _dot_t(h, wout_ref[...])


def _run_mnet(x, win, b_in, wh, bh, wout):
    grid = (N // ROW_BLK,)
    full = lambda s: pl.BlockSpec(s, lambda i: (0,) * len(s))
    return pl.pallas_call(
        _mnet_body,
        grid=grid,
        in_specs=[
            pl.BlockSpec((ROW_BLK, D), lambda i: (i, 0)),
            full((D, D)),
            full((1, D)),
            full((2, D, D)),
            full((2, 1, D)),
            full((D, D)),
        ],
        out_specs=pl.BlockSpec((ROW_BLK, D), lambda i: (i, 0)),
        out_shape=jax.ShapeDtypeStruct((N, D), jnp.float32),
    )(x, win, b_in.reshape(1, D), wh, bh.reshape(2, 1, D), wout)


def _seg_body(msg_hbm, edge_hbm, out_hbm,
              src_v, d0_v, d1_v, r0_v, r1_v, theta_s,
              si0, si1, sg0, sg1):
    cid = lax.axis_index("c")
    sid = lax.axis_index("s")
    wid = cid * NS + sid
    ebase = wid * EPW
    dbase = E + ebase

    pltpu.async_copy(edge_hbm.at[pl.ds(ebase, EPW)], src_v, si0)

    zv = jnp.zeros((16,), jnp.float32)
    def zrow(i, c):
        for j in range(D // 16):
            r0_v[i, pl.ds(j * 16, 16)] = zv
        return c
    lax.fori_loop(0, CH, zrow, 0)
    for k in range(RPS // CH):
        pltpu.sync_copy(r0_v, theta_s.at[pl.ds(sid * RPS + k * CH, CH)])
    pltpu.make_async_copy(edge_hbm.at[pl.ds(ebase, EPW)], src_v, si0).wait()
    plsc.subcore_barrier()

    def istart(i, dbuf, sem):
        pltpu.async_copy(edge_hbm.at[pl.ds(dbase + i * CH, CH)], dbuf, sem)

    def iwait(i, dbuf, sem):
        pltpu.make_async_copy(edge_hbm.at[pl.ds(dbase + i * CH, CH)],
                              dbuf, sem).wait()

    def gstart(i, buf, sem):
        pltpu.async_copy(msg_hbm.at[src_v.at[pl.ds(i * CH, CH)]], buf, sem)

    def gwait(i, buf, sem):
        pltpu.make_async_copy(msg_hbm.at[src_v.at[pl.ds(i * CH, CH)]],
                              buf, sem).wait()

    def scat(buf, dbuf):
        pltpu.sync_copy(buf, theta_s.at[dbuf], add=True)

    istart(0, d0_v, si0)
    gstart(0, r0_v, sg0)
    istart(1, d1_v, si1)
    gstart(1, r1_v, sg1)

    def pair(k, c):
        b = 2 * k
        gwait(b, r0_v, sg0)
        iwait(b, d0_v, si0)
        scat(r0_v, d0_v)
        istart(b + 2, d0_v, si0)
        gstart(b + 2, r0_v, sg0)
        gwait(b + 1, r1_v, sg1)
        iwait(b + 1, d1_v, si1)
        scat(r1_v, d1_v)
        @pl.when(b + 3 < ITERS)
        def _():
            istart(b + 3, d1_v, si1)
            gstart(b + 3, r1_v, sg1)
        return c
    lax.fori_loop(0, (ITERS - 1) // 2, pair, 0)
    gwait(ITERS - 1, r0_v, sg0)
    iwait(ITERS - 1, d0_v, si0)
    scat(r0_v, d0_v)
    plsc.subcore_barrier()

    pltpu.sync_copy(theta_s.at[pl.ds(sid * RPS, RPS)],
                    out_hbm.at[cid, pl.ds(sid * RPS, RPS)])


_seg_kernel = functools.partial(
    pl.kernel,
    mesh=plsc.VectorSubcoreMesh(core_axis_name="c", subcore_axis_name="s"),
    out_type=jax.ShapeDtypeStruct((NC, NP, D), jnp.float32),
    scratch_types=[
        pltpu.VMEM((EPW,), jnp.int32),
        pltpu.VMEM((CH,), jnp.int32),
        pltpu.VMEM((CH,), jnp.int32),
        pltpu.VMEM((CH, D), jnp.float32),
        pltpu.VMEM((CH, D), jnp.float32),
        pltpu.VMEM_SHARED((NP, D), jnp.float32),
        pltpu.SemaphoreType.DMA,
        pltpu.SemaphoreType.DMA,
        pltpu.SemaphoreType.DMA,
        pltpu.SemaphoreType.DMA,
    ],
)(_seg_body)


def _update_body(th_ref,
                 swin_ref, sbin_ref, swh_ref, sbh_ref, swout_ref,
                 rwin_ref, rbin_ref, rwh_ref, rbh_ref, rwout_ref,
                 ewin_ref, ebin_ref, ewh_ref, ebh_ref, ewout_ref,
                 o_ref):
    th = th_ref[0] + th_ref[1]

    s = _sigmoid(_dot_t(th, swin_ref[...]) + sbin_ref[...])
    s = _sigmoid(_dot_t(s, swh_ref[0]) + sbh_ref[0])
    s = _sigmoid(_dot_t(s, swh_ref[1]) + sbh_ref[1])
    s_out = _dot_t(s, swout_ref[...])[:, 0:1]

    r = jax.nn.relu(_dot_t(th, rwin_ref[...]) + rbin_ref[...])
    r = r + jax.nn.relu(_dot_t(r, rwh_ref[0]) + rbh_ref[0])
    r = r + jax.nn.relu(_dot_t(r, rwh_ref[1]) + rbh_ref[1])
    r_out = _dot_t(r, rwout_ref[...])

    e = jax.nn.relu(_dot_t(th, ewin_ref[...]) + ebin_ref[...])
    e = jax.nn.relu(_dot_t(e, ewh_ref[0]) + ebh_ref[0])
    e = jax.nn.relu(_dot_t(e, ewh_ref[1]) + ebh_ref[1])
    e_out = _dot_t(e, ewout_ref[...])

    o_ref[...] = s_out * (r_out + e_out * th)


def _run_update(theta2,
                s_win, s_bin, s_wh, s_bh, s_wout,
                r_win, r_bin, r_wh, r_bh, r_wout,
                e_win, e_bin, e_wh, e_bh, e_wout):
    grid = (N // ROW_BLK,)
    full = lambda s: pl.BlockSpec(s, lambda i: (0,) * len(s))
    net = lambda wout_shape: [
        full((D, D)), full((1, D)), full((2, D, D)), full((2, 1, D)),
        full(wout_shape),
    ]
    _call = pl.pallas_call(
        _update_body,
        grid=grid,
        in_specs=[pl.BlockSpec((NC, ROW_BLK, D), lambda i: (0, i, 0))]
        + net((8, D)) + net((D, D)) + net((D, D)),
        out_specs=pl.BlockSpec((ROW_BLK, D), lambda i: (i, 0)),
        out_shape=jax.ShapeDtypeStruct((N, D), jnp.float32),
    )
    return _call(theta2,
                 s_win, s_bin.reshape(1, D), s_wh, s_bh.reshape(2, 1, D),
                 jnp.pad(s_wout, ((0, 7), (0, 0))),
                 r_win, r_bin.reshape(1, D), r_wh, r_bh.reshape(2, 1, D), r_wout,
                 e_win, e_bin.reshape(1, D), e_wh, e_bh.reshape(2, 1, D), e_wout)


def kernel(x, edge_index,
           M_Win, M_bin, M_Wh, M_bh, M_Wout,
           S_Win, S_bin, S_Wh, S_bh, S_Wout,
           R_Win, R_bin, R_Wh, R_bh, R_Wout,
           E_Win, E_bin, E_Wh, E_bh, E_Wout):
    msg = _run_mnet(x, M_Win, M_bin, M_Wh, M_bh, M_Wout)
    theta2 = _seg_kernel(msg, edge_index.reshape(-1))
    return _run_update(theta2,
                       S_Win, S_bin, S_Wh, S_bh, S_Wout,
                       R_Win, R_bin, R_Wh, R_bh, R_Wout,
                       E_Win, E_bin, E_Wh, E_bh, E_Wout)

# --- scband reference (transcript-rebuilt; emitter-appended) ---
"""Pipeline reference for scband-gnn-v5-90555090469251 (READ-ONLY COPY).

The authoritative reference and input builder live on the scoring server;
editing this copy changes nothing except your own understanding.
"""

import jax, jax.numpy as jnp
import numpy as np

N = 10000
E_EDGES = 320000
D_IN = 128
D_OUT = 128
M_WIDTH = 128
M_DEPTH = 2
V_WIDTH = 128
V_DEPTH = 2


def _linear_params(key, out_d, in_d, bias=True):
    k1, k2 = jax.random.split(key)
    bound = 1.0 / np.sqrt(in_d)
    W = jax.random.uniform(k1, (out_d, in_d), minval=-bound, maxval=bound, dtype=jnp.float32)
    if bias:
        b = jax.random.uniform(k2, (out_d,), minval=-bound, maxval=bound, dtype=jnp.float32)
        return W, b
    return W, None


def _make_net(key, din, dout, width, depth):
    keys = jax.random.split(key, depth + 2)
    Win, b_in = _linear_params(keys[0], width, din)
    Wh, bh = [], []
    for i in range(depth):
        W, b = _linear_params(keys[1 + i], width, width)
        Wh.append(W)
        bh.append(b)
    Wout, _ = _linear_params(keys[-1], dout, width, bias=False)
    return Win, b_in, jnp.stack(Wh), jnp.stack(bh), Wout


def _ffnet(x, Win, b_in, Wh, bh, Wout, act):
    # FFNet.forward: x = act(linearIn(x)); for layer: x = act(layer(x)); return linearOut(x)
    x = act(x @ Win.T + b_in)
    for i in range(Wh.shape[0]):
        x = act(x @ Wh[i].T + bh[i])
    return x @ Wout.T


def _resnet(x, Win, b_in, Wh, bh, Wout, act):
    # ResNet.forward: x = act(linearIn(x)); for layer: x = x + act(layer(x)); return linearOut(x)
    x = act(x @ Win.T + b_in)
    for i in range(Wh.shape[0]):
        x = x + act(x @ Wh[i].T + bh[i])
    return x @ Wout.T


def setup_inputs(seed: int = 0):
    key = jax.random.key(seed)
    kx, ke, kM, kS, kR, kE = jax.random.split(key, 6)
    inp = {}
    inp['x'] = jax.random.normal(kx, (N, D_IN), dtype=jnp.float32)
    inp['edge_index'] = jax.random.randint(ke, (2, E_EDGES), 0, N, dtype=jnp.int32)
    for name, k, din, dout, w, d in [
        ('M', kM, D_IN, D_OUT, M_WIDTH, M_DEPTH),
        ('S', kS, D_OUT, 1, V_WIDTH, V_DEPTH),
        ('R', kR, D_OUT, D_OUT, V_WIDTH, V_DEPTH),
        ('E', kE, D_OUT, D_OUT, V_WIDTH, V_DEPTH),
    ]:
        Win, b_in, Wh, bh, Wout = _make_net(k, din, dout, w, d)
        inp[name + '_Win'] = Win
        inp[name + '_bin'] = b_in
        inp[name + '_Wh'] = Wh
        inp[name + '_bh'] = bh
        inp[name + '_Wout'] = Wout
    return inp


def reference(x, edge_index,
              M_Win, M_bin, M_Wh, M_bh, M_Wout,
              S_Win, S_bin, S_Wh, S_bh, S_Wout,
              R_Win, R_bin, R_Wh, R_bh, R_Wout,
              E_Win, E_bin, E_Wh, E_bh, E_Wout):
    relu = jax.nn.relu
    sigm = jax.nn.sigmoid
    # MessagePassing(aggr='add'): message = M(x_j); apply M per-node then gather (same math)
    msg_node = _resnet(x, M_Win, M_bin, M_Wh, M_bh, M_Wout, relu)
    src = edge_index[0]
    dst = edge_index[1]
    msgs = jnp.take(msg_node, src, axis=0)
    theta = jax.ops.segment_sum(msgs, dst, num_segments=N)
    # update: V(theta) with shape_strict=True, dropout_p=0
    S = _ffnet(theta, S_Win, S_bin, S_Wh, S_bh, S_Wout, sigm)
    R = _resnet(theta, R_Win, R_bin, R_Wh, R_bh, R_Wout, relu)
    Ev = _ffnet(theta, E_Win, E_bin, E_Wh, E_bh, E_Wout, relu)
    return S * (R + Ev * theta)

if __name__ == "__main__":
    import jax
    _d = setup_inputs()
    print(jax.jit(kernel)(*tuple(_d.values())))

</pallas_src>

<mosaic_0001>
#map = affine_map<(d0, d1) -> (0, 0)>
#map1 = affine_map<(d0, d1) -> (0)>
#map2 = affine_map<(d0, d1) -> (0, 0, 0)>
module attributes {stable_mosaic.version = 14 : i64} {
  func.func @_seg_body(%arg0: i32, %arg1: i32, %arg2: memref<10000x128xf32, #tpu.memory_space<hbm>>, %arg3: memref<640000xi32, #tpu.memory_space<hbm>>, %arg4: memref<2x10240x128xf32, #tpu.memory_space<hbm>>, %arg5: memref<10000xi32, #tpu.memory_space<vmem>>, %arg6: memref<80xi32, #tpu.memory_space<vmem>>, %arg7: memref<80xi32, #tpu.memory_space<vmem>>, %arg8: memref<80x128xf32, #tpu.memory_space<vmem>>, %arg9: memref<80x128xf32, #tpu.memory_space<vmem>>, %arg10: memref<10240x128xf32, #tpu.memory_space<vmem_shared>>, %arg11: memref<!tpu.dma_semaphore, #tpu.memory_space<semaphore_mem>>, %arg12: memref<!tpu.dma_semaphore, #tpu.memory_space<semaphore_mem>>, %arg13: memref<!tpu.dma_semaphore, #tpu.memory_space<semaphore_mem>>, %arg14: memref<!tpu.dma_semaphore, #tpu.memory_space<semaphore_mem>>) attributes {dimension_semantics = [#tpu.dimension_semantics<core_parallel>, #tpu.dimension_semantics<subcore_parallel>], iteration_bounds = array<i64: 2, 16>, scalar_prefetch = 0 : i64, scratch_operands = 10 : i64, tpu.core_type = #tpu.core_type<sc_vector_subcore>, window_params = [{transform_indices = #map}, {transform_indices = #map1}, {transform_indices = #map2}]} {
    %mul3A = arith.constant 16 : i32
    %mul3A_0 = arith.muli %arg0, %mul3A : i32
    %add3A = arith.addi %mul3A_0, %arg1 : i32
    %mul3A_1 = arith.constant 10000 : i32
    %mul3A_2 = arith.muli %add3A, %mul3A_1 : i32
    %add3A_3 = arith.constant 320000 : i32
    %add3A_4 = arith.addi %add3A_3, %mul3A_2 : i32
    %dma_start3A = tpu.memref_slice %arg3[%mul3A_2] : memref<640000xi32, #tpu.memory_space<hbm>> -> memref<10000xi32, #tpu.memory_space<hbm>>
    %dma_start3A_5 = tpu.memref_slice %arg3[%mul3A_2] : memref<640000xi32, #tpu.memory_space<hbm>> -> memref<10000xi32, #tpu.memory_space<hbm>>
    tpu.enqueue_dma source(%dma_start3A_5 : memref<10000xi32, #tpu.memory_space<hbm>>) target(%arg5 : memref<10000xi32, #tpu.memory_space<vmem>>) target_semaphore(%arg11 : memref<!tpu.dma_semaphore, #tpu.memory_space<semaphore_mem>>)
    %broadcast_in_dim3A = arith.constant 0.000000e+00 : f32
    %broadcast_in_dim3A_6 = vector.broadcast %broadcast_in_dim3A : f32 to vector<16xf32>
    %scan3A = arith.constant 0 : i32
    %scan3A_7 = arith.constant 0 : i32
    %scan3A_8 = arith.constant 80 : i32
    %scan3A_9 = arith.addi %scan3A_7, %scan3A_8 : i32
    %scan3A_10 = arith.constant 1 : i32
    scf.for %scan3A_83 = %scan3A_7 to %scan3A_9 step %scan3A_10  : i32 {
      %swap3A = arith.index_cast %scan3A_83 : i32 to index
      %swap3A_84 = arith.constant 0 : index
      %swap3A_85 = tpu.vector_load %arg8[%swap3A, %swap3A_84] {strides = array<i32>} : memref<80x128xf32, #tpu.memory_space<vmem>>, vector<1x16xf32>,
      %swap3A_86 = vector.shape_cast %swap3A_85 : vector<1x16xf32> to vector<16xf32>
      %swap3A_87 = vector.shape_cast %broadcast_in_dim3A_6 : vector<16xf32> to vector<1x16xf32>
      tpu.vector_store %arg8[%swap3A, %swap3A_84], %swap3A_87 {strides = array<i32>} : memref<80x128xf32, #tpu.memory_space<vmem>>, vector<1x16xf32>,
      %swap3A_88 = arith.index_cast %scan3A_83 : i32 to index
      %swap3A_89 = arith.constant 16 : index
      %swap3A_90 = tpu.vector_load %arg8[%swap3A_88, %swap3A_89] {strides = array<i32>} : memref<80x128xf32, #tpu.memory_space<vmem>>, vector<1x16xf32>,
      %swap3A_91 = vector.shape_cast %swap3A_90 : vector<1x16xf32> to vector<16xf32>
      %swap3A_92 = vector.shape_cast %broadcast_in_dim3A_6 : vector<16xf32> to vector<1x16xf32>
      tpu.vector_store %arg8[%swap3A_88, %swap3A_89], %swap3A_92 {strides = array<i32>} : memref<80x128xf32, #tpu.memory_space<vmem>>, vector<1x16xf32>,
      %swap3A_93 = arith.index_cast %scan3A_83 : i32 to index
      %swap3A_94 = arith.constant 32 : index
      %swap3A_95 = tpu.vector_load %arg8[%swap3A_93, %swap3A_94] {strides = array<i32>} : memref<80x128xf32, #tpu.memory_space<vmem>>, vector<1x16xf32>,
      %swap3A_96 = vector.shape_cast %swap3A_95 : vector<1x16xf32> to vector<16xf32>
      %swap3A_97 = vector.shape_cast %broadcast_in_dim3A_6 : vector<16xf32> to vector<1x16xf32>
      tpu.vector_store %arg8[%swap3A_93, %swap3A_94], %swap3A_97 {strides = array<i32>} : memref<80x128xf32, #tpu.memory_space<vmem>>, vector<1x16xf32>,
      %swap3A_98 = arith.index_cast %scan3A_83 : i32 to index
      %swap3A_99 = arith.constant 48 : index
      %swap3A_100 = tpu.vector_load %arg8[%swap3A_98, %swap3A_99] {strides = array<i32>} : memref<80x128xf32, #tpu.memory_space<vmem>>, vector<1x16xf32>,
      %swap3A_101 = vector.shape_cast %swap3A_100 : vector<1x16xf32> to vector<16xf32>
      %swap3A_102 = vector.shape_cast %broadcast_in_dim3A_6 : vector<16xf32> to vector<1x16xf32>
      tpu.vector_store %arg8[%swap3A_98, %swap3A_99], %swap3A_102 {strides = array<i32>} : memref<80x128xf32, #tpu.memory_space<vmem>>, vector<1x16xf32>,
      %swap3A_103 = arith.index_cast %scan3A_83 : i32 to index
      %swap3A_104 = arith.constant 64 : index
      %swap3A_105 = tpu.vector_load %arg8[%swap3A_103, %swap3A_104] {strides = array<i32>} : memref<80x128xf32, #tpu.memory_space<vmem>>, vector<1x16xf32>,
      %swap3A_106 = vector.shape_cast %swap3A_105 : vector<1x16xf32> to vector<16xf32>
      %swap3A_107 = vector.shape_cast %broadcast_in_dim3A_6 : vector<16xf32> to vector<1x16xf32>
      tpu.vector_store %arg8[%swap3A_103, %swap3A_104], %swap3A_107 {strides = array<i32>} : memref<80x128xf32, #tpu.memory_space<vmem>>, vector<1x16xf32>,
      %swap3A_108 = arith.index_cast %scan3A_83 : i32 to index
      %swap3A_109 = arith.constant 80 : index
      %swap3A_110 = tpu.vector_load %arg8[%swap3A_108, %swap3A_109] {strides = array<i32>} : memref<80x128xf32, #tpu.memory_space<vmem>>, vector<1x16xf32>,
      %swap3A_111 = vector.shape_cast %swap3A_110 : vector<1x16xf32> to vector<16xf32>
      %swap3A_112 = vector.shape_cast %broadcast_in_dim3A_6 : vector<16xf32> to vector<1x16xf32>
      tpu.vector_store %arg8[%swap3A_108, %swap3A_109], %swap3A_112 {strides = array<i32>} : memref<80x128xf32, #tpu.memory_space<vmem>>, vector<1x16xf32>,
      %swap3A_113 = arith.index_cast %scan3A_83 : i32 to index
      %swap3A_114 = arith.constant 96 : index
      %swap3A_115 = tpu.vector_load %arg8[%swap3A_113, %swap3A_114] {strides = array<i32>} : memref<80x128xf32, #tpu.memory_space<vmem>>, vector<1x16xf32>,
      %swap3A_116 = vector.shape_cast %swap3A_115 : vector<1x16xf32> to vector<16xf32>
      %swap3A_117 = vector.shape_cast %broadcast_in_dim3A_6 : vector<16xf32> to vector<1x16xf32>
      tpu.vector_store %arg8[%swap3A_113, %swap3A_114], %swap3A_117 {strides = array<i32>} : memref<80x128xf32, #tpu.memory_space<vmem>>, vector<1x16xf32>,
      %swap3A_118 = arith.index_cast %scan3A_83 : i32 to index
      %swap3A_119 = arith.constant 112 : index
      %swap3A_120 = tpu.vector_load %arg8[%swap3A_118, %swap3A_119] {strides = array<i32>} : memref<80x128xf32, #tpu.memory_space<vmem>>, vector<1x16xf32>,
      %swap3A_121 = vector.shape_cast %swap3A_120 : vector<1x16xf32> to vector<16xf32>
      %swap3A_122 = vector.shape_cast %broadcast_in_dim3A_6 : vector<16xf32> to vector<1x16xf32>
      tpu.vector_store %arg8[%swap3A_118, %swap3A_119], %swap3A_122 {strides = array<i32>} : memref<80x128xf32, #tpu.memory_space<vmem>>, vector<1x16xf32>,
    }
    %scan3A_11 = arith.constant 80 : i32
    %mul3A_12 = arith.constant 640 : i32
    %mul3A_13 = arith.muli %arg1, %mul3A_12 : i32
    %add3A_14 = arith.constant 0 : i32
    %add3A_15 = arith.addi %mul3A_13, %add3A_14 : i32
    "tpu.region"() ({
      %run_scoped3A = tpu.sem_alloc : memref<!tpu.dma_semaphore, #tpu.memory_space<semaphore_mem>>
      %dma_start3A_83 = arith.constant 0 : i32
      %dma_start3A_84 = tpu.memref_slice %arg10[%add3A_15, %dma_start3A_83] : memref<10240x128xf32, #tpu.memory_space<vmem_shared>> -> memref<80x128xf32, #tpu.memory_space<vmem_shared>>
      %dma_start3A_85 = arith.constant 0 : i32
      %dma_start3A_86 = tpu.memref_slice %arg10[%add3A_15, %dma_start3A_85] : memref<10240x128xf32, #tpu.memory_space<vmem_shared>> -> memref<80x128xf32, #tpu.memory_space<vmem_shared>>
      tpu.enqueue_dma source(%arg8 : memref<80x128xf32, #tpu.memory_space<vmem>>) target(%dma_start3A_86 : memref<80x128xf32, #tpu.memory_space<vmem_shared>>) target_semaphore(%run_scoped3A : memref<!tpu.dma_semaphore, #tpu.memory_space<semaphore_mem>>)
      %dma_wait3A_87 = arith.constant 0 : i32
      %dma_wait3A_88 = tpu.memref_slice %arg10[%add3A_15, %dma_wait3A_87] : memref<10240x128xf32, #tpu.memory_space<vmem_shared>> -> memref<80x128xf32, #tpu.memory_space<vmem_shared>>
      %dma_wait3A_89 = arith.constant 0 : i32
      %dma_wait3A_90 = tpu.memref_slice %arg10[%add3A_15, %dma_wait3A_89] : memref<10240x128xf32, #tpu.memory_space<vmem_shared>> -> memref<80x128xf32, #tpu.memory_space<vmem_shared>>
      tpu.wait_dma2 semaphore(%run_scoped3A : memref<!tpu.dma_semaphore, #tpu.memory_space<semaphore_mem>>) src(%arg8 : memref<80x128xf32, #tpu.memory_space<vmem>>) dst(%dma_wait3A_90 : memref<80x128xf32, #tpu.memory_space<vmem_shared>>)
      tpu.yield
    }) : () -> ()
    %mul3A_16 = arith.constant 640 : i32
    %mul3A_17 = arith.muli %arg1, %mul3A_16 : i32
    %add3A_18 = arith.constant 80 : i32
    %add3A_19 = arith.addi %mul3A_17, %add3A_18 : i32
    "tpu.region"() ({
      %run_scoped3A = tpu.sem_alloc : memref<!tpu.dma_semaphore, #tpu.memory_space<semaphore_mem>>
      %dma_start3A_83 = arith.constant 0 : i32
      %dma_start3A_84 = tpu.memref_slice %arg10[%add3A_19, %dma_start3A_83] : memref<10240x128xf32, #tpu.memory_space<vmem_shared>> -> memref<80x128xf32, #tpu.memory_space<vmem_shared>>
      %dma_start3A_85 = arith.constant 0 : i32
      %dma_start3A_86 = tpu.memref_slice %arg10[%add3A_19, %dma_start3A_85] : memref<10240x128xf32, #tpu.memory_space<vmem_shared>> -> memref<80x128xf32, #tpu.memory_space<vmem_shared>>
      tpu.enqueue_dma source(%arg8 : memref<80x128xf32, #tpu.memory_space<vmem>>) target(%dma_start3A_86 : memref<80x128xf32, #tpu.memory_space<vmem_shared>>) target_semaphore(%run_scoped3A : memref<!tpu.dma_semaphore, #tpu.memory_space<semaphore_mem>>)
      %dma_wait3A_87 = arith.constant 0 : i32
      %dma_wait3A_88 = tpu.memref_slice %arg10[%add3A_19, %dma_wait3A_87] : memref<10240x128xf32, #tpu.memory_space<vmem_shared>> -> memref<80x128xf32, #tpu.memory_space<vmem_shared>>
      %dma_wait3A_89 = arith.constant 0 : i32
      %dma_wait3A_90 = tpu.memref_slice %arg10[%add3A_19, %dma_wait3A_89] : memref<10240x128xf32, #tpu.memory_space<vmem_shared>> -> memref<80x128xf32, #tpu.memory_space<vmem_shared>>
      tpu.wait_dma2 semaphore(%run_scoped3A : memref<!tpu.dma_semaphore, #tpu.memory_space<semaphore_mem>>) src(%arg8 : memref<80x128xf32, #tpu.memory_space<vmem>>) dst(%dma_wait3A_90 : memref<80x128xf32, #tpu.memory_space<vmem_shared>>)
      tpu.yield
    }) : () -> ()
    %mul3A_20 = arith.constant 640 : i32
    %mul3A_21 = arith.muli %arg1, %mul3A_20 : i32
    %add3A_22 = arith.constant 160 : i32
    %add3A_23 = arith.addi %mul3A_21, %add3A_22 : i32
    "tpu.region"() ({
      %run_scoped3A = tpu.sem_alloc : memref<!tpu.dma_semaphore, #tpu.memory_space<semaphore_mem>>
      %dma_start3A_83 = arith.constant 0 : i32
      %dma_start3A_84 = tpu.memref_slice %arg10[%add3A_23, %dma_start3A_83] : memref<10240x128xf32, #tpu.memory_space<vmem_shared>> -> memref<80x128xf32, #tpu.memory_space<vmem_shared>>
      %dma_start3A_85 = arith.constant 0 : i32
      %dma_start3A_86 = tpu.memref_slice %arg10[%add3A_23, %dma_start3A_85] : memref<10240x128xf32, #tpu.memory_space<vmem_shared>> -> memref<80x128xf32, #tpu.memory_space<vmem_shared>>
      tpu.enqueue_dma source(%arg8 : memref<80x128xf32, #tpu.memory_space<vmem>>) target(%dma_start3A_86 : memref<80x128xf32, #tpu.memory_space<vmem_shared>>) target_semaphore(%run_scoped3A : memref<!tpu.dma_semaphore, #tpu.memory_space<semaphore_mem>>)
      %dma_wait3A_87 = arith.constant 0 : i32
      %dma_wait3A_88 = tpu.memref_slice %arg10[%add3A_23, %dma_wait3A_87] : memref<10240x128xf32, #tpu.memory_space<vmem_shared>> -> memref<80x128xf32, #tpu.memory_space<vmem_shared>>
      %dma_wait3A_89 = arith.constant 0 : i32
      %dma_wait3A_90 = tpu.memref_slice %arg10[%add3A_23, %dma_wait3A_89] : memref<10240x128xf32, #tpu.memory_space<vmem_shared>> -> memref<80x128xf32, #tpu.memory_space<vmem_shared>>
      tpu.wait_dma2 semaphore(%run_scoped3A : memref<!tpu.dma_semaphore, #tpu.memory_space<semaphore_mem>>) src(%arg8 : memref<80x128xf32, #tpu.memory_space<vmem>>) dst(%dma_wait3A_90 : memref<80x128xf32, #tpu.memory_space<vmem_shared>>)
      tpu.yield
    }) : () -> ()
    %mul3A_24 = arith.constant 640 : i32
    %mul3A_25 = arith.muli %arg1, %mul3A_24 : i32
    %add3A_26 = arith.constant 240 : i32
    %add3A_27 = arith.addi %mul3A_25, %add3A_26 : i32
    "tpu.region"() ({
      %run_scoped3A = tpu.sem_alloc : memref<!tpu.dma_semaphore, #tpu.memory_space<semaphore_mem>>
      %dma_start3A_83 = arith.constant 0 : i32
      %dma_start3A_84 = tpu.memref_slice %arg10[%add3A_27, %dma_start3A_83] : memref<10240x128xf32, #tpu.memory_space<vmem_shared>> -> memref<80x128xf32, #tpu.memory_space<vmem_shared>>
      %dma_start3A_85 = arith.constant 0 : i32
      %dma_start3A_86 = tpu.memref_slice %arg10[%add3A_27, %dma_start3A_85] : memref<10240x128xf32, #tpu.memory_space<vmem_shared>> -> memref<80x128xf32, #tpu.memory_space<vmem_shared>>
      tpu.enqueue_dma source(%arg8 : memref<80x128xf32, #tpu.memory_space<vmem>>) target(%dma_start3A_86 : memref<80x128xf32, #tpu.memory_space<vmem_shared>>) target_semaphore(%run_scoped3A : memref<!tpu.dma_semaphore, #tpu.memory_space<semaphore_mem>>)
      %dma_wait3A_87 = arith.constant 0 : i32
      %dma_wait3A_88 = tpu.memref_slice %arg10[%add3A_27, %dma_wait3A_87] : memref<10240x128xf32, #tpu.memory_space<vmem_shared>> -> memref<80x128xf32, #tpu.memory_space<vmem_shared>>
      %dma_wait3A_89 = arith.constant 0 : i32
      %dma_wait3A_90 = tpu.memref_slice %arg10[%add3A_27, %dma_wait3A_89] : memref<10240x128xf32, #tpu.memory_space<vmem_shared>> -> memref<80x128xf32, #tpu.memory_space<vmem_shared>>
      tpu.wait_dma2 semaphore(%run_scoped3A : memref<!tpu.dma_semaphore, #tpu.memory_space<semaphore_mem>>) src(%arg8 : memref<80x128xf32, #tpu.memory_space<vmem>>) dst(%dma_wait3A_90 : memref<80x128xf32, #tpu.memory_space<vmem_shared>>)
      tpu.yield
    }) : () -> ()
    %mul3A_28 = arith.constant 640 : i32
    %mul3A_29 = arith.muli %arg1, %mul3A_28 : i32
    %add3A_30 = arith.constant 320 : i32
    %add3A_31 = arith.addi %mul3A_29, %add3A_30 : i32
    "tpu.region"() ({
      %run_scoped3A = tpu.sem_alloc : memref<!tpu.dma_semaphore, #tpu.memory_space<semaphore_mem>>
      %dma_start3A_83 = arith.constant 0 : i32
      %dma_start3A_84 = tpu.memref_slice %arg10[%add3A_31, %dma_start3A_83] : memref<10240x128xf32, #tpu.memory_space<vmem_shared>> -> memref<80x128xf32, #tpu.memory_space<vmem_shared>>
      %dma_start3A_85 = arith.constant 0 : i32
      %dma_start3A_86 = tpu.memref_slice %arg10[%add3A_31, %dma_start3A_85] : memref<10240x128xf32, #tpu.memory_space<vmem_shared>> -> memref<80x128xf32, #tpu.memory_space<vmem_shared>>
      tpu.enqueue_dma source(%arg8 : memref<80x128xf32, #tpu.memory_space<vmem>>) target(%dma_start3A_86 : memref<80x128xf32, #tpu.memory_space<vmem_shared>>) target_semaphore(%run_scoped3A : memref<!tpu.dma_semaphore, #tpu.memory_space<semaphore_mem>>)
      %dma_wait3A_87 = arith.constant 0 : i32
      %dma_wait3A_88 = tpu.memref_slice %arg10[%add3A_31, %dma_wait3A_87] : memref<10240x128xf32, #tpu.memory_space<vmem_shared>> -> memref<80x128xf32, #tpu.memory_space<vmem_shared>>
      %dma_wait3A_89 = arith.constant 0 : i32
      %dma_wait3A_90 = tpu.memref_slice %arg10[%add3A_31, %dma_wait3A_89] : memref<10240x128xf32, #tpu.memory_space<vmem_shared>> -> memref<80x128xf32, #tpu.memory_space<vmem_shared>>
      tpu.wait_dma2 semaphore(%run_scoped3A : memref<!tpu.dma_semaphore, #tpu.memory_space<semaphore_mem>>) src(%arg8 : memref<80x128xf32, #tpu.memory_space<vmem>>) dst(%dma_wait3A_90 : memref<80x128xf32, #tpu.memory_space<vmem_shared>>)
      tpu.yield
    }) : () -> ()
    %mul3A_32 = arith.constant 640 : i32
    %mul3A_33 = arith.muli %arg1, %mul3A_32 : i32
    %add3A_34 = arith.constant 400 : i32
    %add3A_35 = arith.addi %mul3A_33, %add3A_34 : i32
    "tpu.region"() ({
      %run_scoped3A = tpu.sem_alloc : memref<!tpu.dma_semaphore, #tpu.memory_space<semaphore_mem>>
      %dma_start3A_83 = arith.constant 0 : i32
      %dma_start3A_84 = tpu.memref_slice %arg10[%add3A_35, %dma_start3A_83] : memref<10240x128xf32, #tpu.memory_space<vmem_shared>> -> memref<80x128xf32, #tpu.memory_space<vmem_shared>>
      %dma_start3A_85 = arith.constant 0 : i32
      %dma_start3A_86 = tpu.memref_slice %arg10[%add3A_35, %dma_start3A_85] : memref<10240x128xf32, #tpu.memory_space<vmem_shared>> -> memref<80x128xf32, #tpu.memory_space<vmem_shared>>
      tpu.enqueue_dma source(%arg8 : memref<80x128xf32, #tpu.memory_space<vmem>>) target(%dma_start3A_86 : memref<80x128xf32, #tpu.memory_space<vmem_shared>>) target_semaphore(%run_scoped3A : memref<!tpu.dma_semaphore, #tpu.memory_space<semaphore_mem>>)
      %dma_wait3A_87 = arith.constant 0 : i32
      %dma_wait3A_88 = tpu.memref_slice %arg10[%add3A_35, %dma_wait3A_87] : memref<10240x128xf32, #tpu.memory_space<vmem_shared>> -> memref<80x128xf32, #tpu.memory_space<vmem_shared>>
      %dma_wait3A_89 = arith.constant 0 : i32
      %dma_wait3A_90 = tpu.memref_slice %arg10[%add3A_35, %dma_wait3A_89] : memref<10240x128xf32, #tpu.memory_space<vmem_shared>> -> memref<80x128xf32, #tpu.memory_space<vmem_shared>>
      tpu.wait_dma2 semaphore(%run_scoped3A : memref<!tpu.dma_semaphore, #tpu.memory_space<semaphore_mem>>) src(%arg8 : memref<80x128xf32, #tpu.memory_space<vmem>>) dst(%dma_wait3A_90 : memref<80x128xf32, #tpu.memory_space<vmem_shared>>)
      tpu.yield
    }) : () -> ()
    %mul3A_36 = arith.constant 640 : i32
    %mul3A_37 = arith.muli %arg1, %mul3A_36 : i32
    %add3A_38 = arith.constant 480 : i32
    %add3A_39 = arith.addi %mul3A_37, %add3A_38 : i32
    "tpu.region"() ({
      %run_scoped3A = tpu.sem_alloc : memref<!tpu.dma_semaphore, #tpu.memory_space<semaphore_mem>>
      %dma_start3A_83 = arith.constant 0 : i32
      %dma_start3A_84 = tpu.memref_slice %arg10[%add3A_39, %dma_start3A_83] : memref<10240x128xf32, #tpu.memory_space<vmem_shared>> -> memref<80x128xf32, #tpu.memory_space<vmem_shared>>
      %dma_start3A_85 = arith.constant 0 : i32
      %dma_start3A_86 = tpu.memref_slice %arg10[%add3A_39, %dma_start3A_85] : memref<10240x128xf32, #tpu.memory_space<vmem_shared>> -> memref<80x128xf32, #tpu.memory_space<vmem_shared>>
      tpu.enqueue_dma source(%arg8 : memref<80x128xf32, #tpu.memory_space<vmem>>) target(%dma_start3A_86 : memref<80x128xf32, #tpu.memory_space<vmem_shared>>) target_semaphore(%run_scoped3A : memref<!tpu.dma_semaphore, #tpu.memory_space<semaphore_mem>>)
      %dma_wait3A_87 = arith.constant 0 : i32
      %dma_wait3A_88 = tpu.memref_slice %arg10[%add3A_39, %dma_wait3A_87] : memref<10240x128xf32, #tpu.memory_space<vmem_shared>> -> memref<80x128xf32, #tpu.memory_space<vmem_shared>>
      %dma_wait3A_89 = arith.constant 0 : i32
      %dma_wait3A_90 = tpu.memref_slice %arg10[%add3A_39, %dma_wait3A_89] : memref<10240x128xf32, #tpu.memory_space<vmem_shared>> -> memref<80x128xf32, #tpu.memory_space<vmem_shared>>
      tpu.wait_dma2 semaphore(%run_scoped3A : memref<!tpu.dma_semaphore, #tpu.memory_space<semaphore_mem>>) src(%arg8 : memref<80x128xf32, #tpu.memory_space<vmem>>) dst(%dma_wait3A_90 : memref<80x128xf32, #tpu.memory_space<vmem_shared>>)
      tpu.yield
    }) : () -> ()
    %mul3A_40 = arith.constant 640 : i32
    %mul3A_41 = arith.muli %arg1, %mul3A_40 : i32
    %add3A_42 = arith.constant 560 : i32
    %add3A_43 = arith.addi %mul3A_41, %add3A_42 : i32
    "tpu.region"() ({
      %run_scoped3A = tpu.sem_alloc : memref<!tpu.dma_semaphore, #tpu.memory_space<semaphore_mem>>
      %dma_start3A_83 = arith.constant 0 : i32
      %dma_start3A_84 = tpu.memref_slice %arg10[%add3A_43, %dma_start3A_83] : memref<10240x128xf32, #tpu.memory_space<vmem_shared>> -> memref<80x128xf32, #tpu.memory_space<vmem_shared>>
      %dma_start3A_85 = arith.constant 0 : i32
      %dma_start3A_86 = tpu.memref_slice %arg10[%add3A_43, %dma_start3A_85] : memref<10240x128xf32, #tpu.memory_space<vmem_shared>> -> memref<80x128xf32, #tpu.memory_space<vmem_shared>>
      tpu.enqueue_dma source(%arg8 : memref<80x128xf32, #tpu.memory_space<vmem>>) target(%dma_start3A_86 : memref<80x128xf32, #tpu.memory_space<vmem_shared>>) target_semaphore(%run_scoped3A : memref<!tpu.dma_semaphore, #tpu.memory_space<semaphore_mem>>)
      %dma_wait3A_87 = arith.constant 0 : i32
      %dma_wait3A_88 = tpu.memref_slice %arg10[%add3A_43, %dma_wait3A_87] : memref<10240x128xf32, #tpu.memory_space<vmem_shared>> -> memref<80x128xf32, #tpu.memory_space<vmem_shared>>
      %dma_wait3A_89 = arith.constant 0 : i32
      %dma_wait3A_90 = tpu.memref_slice %arg10[%add3A_43, %dma_wait3A_89] : memref<10240x128xf32, #tpu.memory_space<vmem_shared>> -> memref<80x128xf32, #tpu.memory_space<vmem_shared>>
      tpu.wait_dma2 semaphore(%run_scoped3A : memref<!tpu.dma_semaphore, #tpu.memory_space<semaphore_mem>>) src(%arg8 : memref<80x128xf32, #tpu.memory_space<vmem>>) dst(%dma_wait3A_90 : memref<80x128xf32, #tpu.memory_space<vmem_shared>>)
      tpu.yield
    }) : () -> ()
    %dma_wait3A = tpu.memref_slice %arg3[%mul3A_2] : memref<640000xi32, #tpu.memory_space<hbm>> -> memref<10000xi32, #tpu.memory_space<hbm>>
    %dma_wait3A_44 = tpu.memref_slice %arg3[%mul3A_2] : memref<640000xi32, #tpu.memory_space<hbm>> -> memref<10000xi32, #tpu.memory_space<hbm>>
    tpu.wait_dma2 semaphore(%arg11 : memref<!tpu.dma_semaphore, #tpu.memory_space<semaphore_mem>>) src(%dma_wait3A_44 : memref<10000xi32, #tpu.memory_space<hbm>>) dst(%arg5 : memref<10000xi32, #tpu.memory_space<vmem>>)
    %barrier3A = arith.constant 0 : index
    tpu.barrier barrier_id(%barrier3A)
    %add3A_45 = arith.constant 0 : i32
    %add3A_46 = arith.addi %add3A_4, %add3A_45 : i32
    %dma_start3A_47 = tpu.memref_slice %arg3[%add3A_46] : memref<640000xi32, #tpu.memory_space<hbm>> -> memref<80xi32, #tpu.memory_space<hbm>>
    %dma_start3A_48 = tpu.memref_slice %arg3[%add3A_46] : memref<640000xi32, #tpu.memory_space<hbm>> -> memref<80xi32, #tpu.memory_space<hbm>>
    tpu.enqueue_dma source(%dma_start3A_48 : memref<80xi32, #tpu.memory_space<hbm>>) target(%arg6 : memref<80xi32, #tpu.memory_space<vmem>>) target_semaphore(%arg11 : memref<!tpu.dma_semaphore, #tpu.memory_space<semaphore_mem>>)
    %dma_start3A_49 = arith.constant 0 : i32
    %dma_start3A_50 = tpu.memref_slice %arg5[%dma_start3A_49] : memref<10000xi32, #tpu.memory_space<vmem>> -> memref<80xi32, #tpu.memory_space<vmem>>
    %dma_start3A_51 = arith.constant 0 : i32
    %dma_start3A_52 = arith.constant 0 : i32
    %dma_start3A_53 = tpu.memref_slice %arg2[%dma_start3A_51, %dma_start3A_52] : memref<10000x128xf32, #tpu.memory_space<hbm>> -> memref<10000x128xf32, #tpu.memory_space<hbm>>
    tpu.enqueue_indirect_dma source(%dma_start3A_53 : memref<10000x128xf32, #tpu.memory_space<hbm>>) target(%arg8 : memref<80x128xf32, #tpu.memory_space<vmem>>) offsets(%dma_start3A_50 : memref<80xi32, #tpu.memory_space<vmem>>) semaphore(%arg13 : memref<!tpu.dma_semaphore, #tpu.memory_space<semaphore_mem>>)
    %add3A_54 = arith.constant 80 : i32
    %add3A_55 = arith.addi %add3A_4, %add3A_54 : i32
    %dma_start3A_56 = tpu.memref_slice %arg3[%add3A_55] : memref<640000xi32, #tpu.memory_space<hbm>> -> memref<80xi32, #tpu.memory_space<hbm>>
    %dma_start3A_57 = tpu.memref_slice %arg3[%add3A_55] : memref<640000xi32, #tpu.memory_space<hbm>> -> memref<80xi32, #tpu.memory_space<hbm>>
    tpu.enqueue_dma source(%dma_start3A_57 : memref<80xi32, #tpu.memory_space<hbm>>) target(%arg7 : memref<80xi32, #tpu.memory_space<vmem>>) target_semaphore(%arg12 : memref<!tpu.dma_semaphore, #tpu.memory_space<semaphore_mem>>)
    %dma_start3A_58 = arith.constant 80 : i32
    %dma_start3A_59 = tpu.memref_slice %arg5[%dma_start3A_58] : memref<10000xi32, #tpu.memory_space<vmem>> -> memref<80xi32, #tpu.memory_space<vmem>>
    %dma_start3A_60 = arith.constant 0 : i32
    %dma_start3A_61 = arith.constant 0 : i32
    %dma_start3A_62 = tpu.memref_slice %arg2[%dma_start3A_60, %dma_start3A_61] : memref<10000x128xf32, #tpu.memory_space<hbm>> -> memref<10000x128xf32, #tpu.memory_space<hbm>>
    tpu.enqueue_indirect_dma source(%dma_start3A_62 : memref<10000x128xf32, #tpu.memory_space<hbm>>) target(%arg9 : memref<80x128xf32, #tpu.memory_space<vmem>>) offsets(%dma_start3A_59 : memref<80xi32, #tpu.memory_space<vmem>>) semaphore(%arg14 : memref<!tpu.dma_semaphore, #tpu.memory_space<semaphore_mem>>)
    %scan3A_63 = arith.constant 0 : i32
    %scan3A_64 = arith.constant 0 : i32
    %scan3A_65 = arith.constant 62 : i32
    %scan3A_66 = arith.addi %scan3A_64, %scan3A_65 : i32
    %scan3A_67 = arith.constant 1 : i32
    scf.for %scan3A_83 = %scan3A_64 to %scan3A_66 step %scan3A_67  : i32 {
      %mul3A_84 = arith.constant 2 : i32
      %mul3A_85 = arith.muli %mul3A_84, %scan3A_83 : i32
      %mul3A_86 = arith.constant 80 : i32
      %mul3A_87 = arith.muli %mul3A_85, %mul3A_86 : i32
      %dma_wait3A_88 = tpu.memref_slice %arg5[%mul3A_87] : memref<10000xi32, #tpu.memory_space<vmem>> -> memref<80xi32, #tpu.memory_space<vmem>>
      %dma_wait3A_89 = arith.constant 0 : i32
      %dma_wait3A_90 = arith.constant 0 : i32
      %dma_wait3A_91 = tpu.memref_slice %arg2[%dma_wait3A_89, %dma_wait3A_90] : memref<10000x128xf32, #tpu.memory_space<hbm>> -> memref<10000x128xf32, #tpu.memory_space<hbm>>
      tpu.wait_indirect_dma semaphore(%arg13 : memref<!tpu.dma_semaphore, #tpu.memory_space<semaphore_mem>>) src(%dma_wait3A_91 : memref<10000x128xf32, #tpu.memory_space<hbm>>) dst(%arg8 : memref<80x128xf32, #tpu.memory_space<vmem>>)
      %mul3A_92 = arith.constant 80 : i32
      %mul3A_93 = arith.muli %mul3A_85, %mul3A_92 : i32
      %add3A_94 = arith.addi %add3A_4, %mul3A_93 : i32
      %dma_wait3A_95 = tpu.memref_slice %arg3[%add3A_94] : memref<640000xi32, #tpu.memory_space<hbm>> -> memref<80xi32, #tpu.memory_space<hbm>>
      %dma_wait3A_96 = tpu.memref_slice %arg3[%add3A_94] : memref<640000xi32, #tpu.memory_space<hbm>> -> memref<80xi32, #tpu.memory_space<hbm>>
      tpu.wait_dma2 semaphore(%arg11 : memref<!tpu.dma_semaphore, #tpu.memory_space<semaphore_mem>>) src(%dma_wait3A_96 : memref<80xi32, #tpu.memory_space<hbm>>) dst(%arg6 : memref<80xi32, #tpu.memory_space<vmem>>)
      "tpu.region"() ({
        %run_scoped3A = tpu.sem_alloc : memref<!tpu.dma_semaphore, #tpu.memory_space<semaphore_mem>>
        %dma_start3A_131 = arith.constant 0 : i32
        %dma_start3A_132 = arith.constant 0 : i32
        %dma_start3A_133 = tpu.memref_slice %arg10[%dma_start3A_131, %dma_start3A_132] : memref<10240x128xf32, #tpu.memory_space<vmem_shared>> -> memref<10240x128xf32, #tpu.memory_space<vmem_shared>>
        tpu.enqueue_indirect_dma source(%arg8 : memref<80x128xf32, #tpu.memory_space<vmem>>) target(%dma_start3A_133 : memref<10240x128xf32, #tpu.memory_space<vmem_shared>>) offsets(%arg6 : memref<80xi32, #tpu.memory_space<vmem>>) semaphore(%run_scoped3A : memref<!tpu.dma_semaphore, #tpu.memory_space<semaphore_mem>>) {add = true}
        %dma_wait3A_134 = arith.constant 0 : i32
        %dma_wait3A_135 = arith.constant 0 : i32
        %dma_wait3A_136 = tpu.memref_slice %arg10[%dma_wait3A_134, %dma_wait3A_135] : memref<10240x128xf32, #tpu.memory_space<vmem_shared>> -> memref<10240x128xf32, #tpu.memory_space<vmem_shared>>
        tpu.wait_indirect_dma semaphore(%run_scoped3A : memref<!tpu.dma_semaphore, #tpu.memory_space<semaphore_mem>>) src(%arg8 : memref<80x128xf32, #tpu.memory_space<vmem>>) dst(%dma_wait3A_136 : memref<10240x128xf32, #tpu.memory_space<vmem_shared>>)
        tpu.yield
      }) : () -> ()
      %add3A_97 = arith.constant 2 : i32
      %add3A_98 = arith.addi %mul3A_85, %add3A_97 : i32
      %mul3A_99 = arith.constant 80 : i32
      %mul3A_100 = arith.muli %add3A_98, %mul3A_99 : i32
      %add3A_101 = arith.addi %add3A_4, %mul3A_100 : i32
      %dma_start3A_102 = tpu.memref_slice %arg3[%add3A_101] : memref<640000xi32, #tpu.memory_space<hbm>> -> memref<80xi32, #tpu.memory_space<hbm>>
      %dma_start3A_103 = tpu.memref_slice %arg3[%add3A_101] : memref<640000xi32, #tpu.memory_space<hbm>> -> memref<80xi32, #tpu.memory_space<hbm>>
      tpu.enqueue_dma source(%dma_start3A_103 : memref<80xi32, #tpu.memory_space<hbm>>) target(%arg6 : memref<80xi32, #tpu.memory_space<vmem>>) target_semaphore(%arg11 : memref<!tpu.dma_semaphore, #tpu.memory_space<semaphore_mem>>)
      %add3A_104 = arith.constant 2 : i32
      %add3A_105 = arith.addi %mul3A_85, %add3A_104 : i32
      %mul3A_106 = arith.constant 80 : i32
      %mul3A_107 = arith.muli %add3A_105, %mul3A_106 : i32
      %dma_start3A_108 = tpu.memref_slice %arg5[%mul3A_107] : memref<10000xi32, #tpu.memory_space<vmem>> -> memref<80xi32, #tpu.memory_space<vmem>>
      %dma_start3A_109 = arith.constant 0 : i32
      %dma_start3A_110 = arith.constant 0 : i32
      %dma_start3A_111 = tpu.memref_slice %arg2[%dma_start3A_109, %dma_start3A_110] : memref<10000x128xf32, #tpu.memory_space<hbm>> -> memref<10000x128xf32, #tpu.memory_space<hbm>>
      tpu.enqueue_indirect_dma source(%dma_start3A_111 : memref<10000x128xf32, #tpu.memory_space<hbm>>) target(%arg8 : memref<80x128xf32, #tpu.memory_space<vmem>>) offsets(%dma_start3A_108 : memref<80xi32, #tpu.memory_space<vmem>>) semaphore(%arg13 : memref<!tpu.dma_semaphore, #tpu.memory_space<semaphore_mem>>)
      %add3A_112 = arith.constant 1 : i32
      %add3A_113 = arith.addi %mul3A_85, %add3A_112 : i32
      %mul3A_114 = arith.constant 80 : i32
      %mul3A_115 = arith.muli %add3A_113, %mul3A_114 : i32
      %dma_wait3A_116 = tpu.memref_slice %arg5[%mul3A_115] : memref<10000xi32, #tpu.memory_space<vmem>> -> memref<80xi32, #tpu.memory_space<vmem>>
      %dma_wait3A_117 = arith.constant 0 : i32
      %dma_wait3A_118 = arith.constant 0 : i32
      %dma_wait3A_119 = tpu.memref_slice %arg2[%dma_wait3A_117, %dma_wait3A_118] : memref<10000x128xf32, #tpu.memory_space<hbm>> -> memref<10000x128xf32, #tpu.memory_space<hbm>>
      tpu.wait_indirect_dma semaphore(%arg14 : memref<!tpu.dma_semaphore, #tpu.memory_space<semaphore_mem>>) src(%dma_wait3A_119 : memref<10000x128xf32, #tpu.memory_space<hbm>>) dst(%arg9 : memref<80x128xf32, #tpu.memory_space<vmem>>)
      %add3A_120 = arith.constant 1 : i32
      %add3A_121 = arith.addi %mul3A_85, %add3A_120 : i32
      %mul3A_122 = arith.constant 80 : i32
      %mul3A_123 = arith.muli %add3A_121, %mul3A_122 : i32
      %add3A_124 = arith.addi %add3A_4, %mul3A_123 : i32
      %dma_wait3A_125 = tpu.memref_slice %arg3[%add3A_124] : memref<640000xi32, #tpu.memory_space<hbm>> -> memref<80xi32, #tpu.memory_space<hbm>>
      %dma_wait3A_126 = tpu.memref_slice %arg3[%add3A_124] : memref<640000xi32, #tpu.memory_space<hbm>> -> memref<80xi32, #tpu.memory_space<hbm>>
      tpu.wait_dma2 semaphore(%arg12 : memref<!tpu.dma_semaphore, #tpu.memory_space<semaphore_mem>>) src(%dma_wait3A_126 : memref<80xi32, #tpu.memory_space<hbm>>) dst(%arg7 : memref<80xi32, #tpu.memory_space<vmem>>)
      "tpu.region"() ({
        %run_scoped3A = tpu.sem_alloc : memref<!tpu.dma_semaphore, #tpu.memory_space<semaphore_mem>>
        %dma_start3A_131 = arith.constant 0 : i32
        %dma_start3A_132 = arith.constant 0 : i32
        %dma_start3A_133 = tpu.memref_slice %arg10[%dma_start3A_131, %dma_start3A_132] : memref<10240x128xf32, #tpu.memory_space<vmem_shared>> -> memref<10240x128xf32, #tpu.memory_space<vmem_shared>>
        tpu.enqueue_indirect_dma source(%arg9 : memref<80x128xf32, #tpu.memory_space<vmem>>) target(%dma_start3A_133 : memref<10240x128xf32, #tpu.memory_space<vmem_shared>>) offsets(%arg7 : memref<80xi32, #tpu.memory_space<vmem>>) semaphore(%run_scoped3A : memref<!tpu.dma_semaphore, #tpu.memory_space<semaphore_mem>>) {add = true}
        %dma_wait3A_134 = arith.constant 0 : i32
        %dma_wait3A_135 = arith.constant 0 : i32
        %dma_wait3A_136 = tpu.memref_slice %arg10[%dma_wait3A_134, %dma_wait3A_135] : memref<10240x128xf32, #tpu.memory_space<vmem_shared>> -> memref<10240x128xf32, #tpu.memory_space<vmem_shared>>
        tpu.wait_indirect_dma semaphore(%run_scoped3A : memref<!tpu.dma_semaphore, #tpu.memory_space<semaphore_mem>>) src(%arg9 : memref<80x128xf32, #tpu.memory_space<vmem>>) dst(%dma_wait3A_136 : memref<10240x128xf32, #tpu.memory_space<vmem_shared>>)
        tpu.yield
      }) : () -> ()
      %add3A_127 = arith.constant 3 : i32
      %add3A_128 = arith.addi %mul3A_85, %add3A_127 : i32
      %lt3A = arith.constant 125 : i32
      %lt3A_129 = arith.cmpi slt, %add3A_128, %lt3A : i32
      %convert_element_type3A = arith.extui %lt3A_129 : i1 to i32
      %cond3A = arith.constant 0 : i32
      %cond3A_130 = arith.cmpi ne, %convert_element_type3A, %cond3A : i32
      scf.if %cond3A_130 {
        %add3A_131 = arith.constant 3 : i32
        %add3A_132 = arith.addi %mul3A_85, %add3A_131 : i32
        %mul3A_133 = arith.constant 80 : i32
        %mul3A_134 = arith.muli %add3A_132, %mul3A_133 : i32
        %add3A_135 = arith.addi %add3A_4, %mul3A_134 : i32
        %dma_start3A_136 = tpu.memref_slice %arg3[%add3A_135] : memref<640000xi32, #tpu.memory_space<hbm>> -> memref<80xi32, #tpu.memory_space<hbm>>
        %dma_start3A_137 = tpu.memref_slice %arg3[%add3A_135] : memref<640000xi32, #tpu.memory_space<hbm>> -> memref<80xi32, #tpu.memory_space<hbm>>
        tpu.enqueue_dma source(%dma_start3A_137 : memref<80xi32, #tpu.memory_space<hbm>>) target(%arg7 : memref<80xi32, #tpu.memory_space<vmem>>) target_semaphore(%arg12 : memref<!tpu.dma_semaphore, #tpu.memory_space<semaphore_mem>>)
        %add3A_138 = arith.constant 3 : i32
        %add3A_139 = arith.addi %mul3A_85, %add3A_138 : i32
        %mul3A_140 = arith.constant 80 : i32
        %mul3A_141 = arith.muli %add3A_139, %mul3A_140 : i32
        %dma_start3A_142 = tpu.memref_slice %arg5[%mul3A_141] : memref<10000xi32, #tpu.memory_space<vmem>> -> memref<80xi32, #tpu.memory_space<vmem>>
        %dma_start3A_143 = arith.constant 0 : i32
        %dma_start3A_144 = arith.constant 0 : i32
        %dma_start3A_145 = tpu.memref_slice %arg2[%dma_start3A_143, %dma_start3A_144] : memref<10000x128xf32, #tpu.memory_space<hbm>> -> memref<10000x128xf32, #tpu.memory_space<hbm>>
        tpu.enqueue_indirect_dma source(%dma_start3A_145 : memref<10000x128xf32, #tpu.memory_space<hbm>>) target(%arg9 : memref<80x128xf32, #tpu.memory_space<vmem>>) offsets(%dma_start3A_142 : memref<80xi32, #tpu.memory_space<vmem>>) semaphore(%arg14 : memref<!tpu.dma_semaphore, #tpu.memory_space<semaphore_mem>>)
      } else {
      }
    }
    %scan3A_68 = arith.constant 62 : i32
    %dma_wait3A_69 = arith.constant 9920 : i32
    %dma_wait3A_70 = tpu.memref_slice %arg5[%dma_wait3A_69] : memref<10000xi32, #tpu.memory_space<vmem>> -> memref<80xi32, #tpu.memory_space<vmem>>
    %dma_wait3A_71 = arith.constant 0 : i32
    %dma_wait3A_72 = arith.constant 0 : i32
    %dma_wait3A_73 = tpu.memref_slice %arg2[%dma_wait3A_71, %dma_wait3A_72] : memref<10000x128xf32, #tpu.memory_space<hbm>> -> memref<10000x128xf32, #tpu.memory_space<hbm>>
    tpu.wait_indirect_dma semaphore(%arg13 : memref<!tpu.dma_semaphore, #tpu.memory_space<semaphore_mem>>) src(%dma_wait3A_73 : memref<10000x128xf32, #tpu.memory_space<hbm>>) dst(%arg8 : memref<80x128xf32, #tpu.memory_space<vmem>>)
    %add3A_74 = arith.constant 9920 : i32
    %add3A_75 = arith.addi %add3A_4, %add3A_74 : i32
    %dma_wait3A_76 = tpu.memref_slice %arg3[%add3A_75] : memref<640000xi32, #tpu.memory_space<hbm>> -> memref<80xi32, #tpu.memory_space<hbm>>
    %dma_wait3A_77 = tpu.memref_slice %arg3[%add3A_75] : memref<640000xi32, #tpu.memory_space<hbm>> -> memref<80xi32, #tpu.memory_space<hbm>>
    tpu.wait_dma2 semaphore(%arg11 : memref<!tpu.dma_semaphore, #tpu.memory_space<semaphore_mem>>) src(%dma_wait3A_77 : memref<80xi32, #tpu.memory_space<hbm>>) dst(%arg6 : memref<80xi32, #tpu.memory_space<vmem>>)
    "tpu.region"() ({
      %run_scoped3A = tpu.sem_alloc : memref<!tpu.dma_semaphore, #tpu.memory_space<semaphore_mem>>
      %dma_start3A_83 = arith.constant 0 : i32
      %dma_start3A_84 = arith.constant 0 : i32
      %dma_start3A_85 = tpu.memref_slice %arg10[%dma_start3A_83, %dma_start3A_84] : memref<10240x128xf32, #tpu.memory_space<vmem_shared>> -> memref<10240x128xf32, #tpu.memory_space<vmem_shared>>
      tpu.enqueue_indirect_dma source(%arg8 : memref<80x128xf32, #tpu.memory_space<vmem>>) target(%dma_start3A_85 : memref<10240x128xf32, #tpu.memory_space<vmem_shared>>) offsets(%arg6 : memref<80xi32, #tpu.memory_space<vmem>>) semaphore(%run_scoped3A : memref<!tpu.dma_semaphore, #tpu.memory_space<semaphore_mem>>) {add = true}
      %dma_wait3A_86 = arith.constant 0 : i32
      %dma_wait3A_87 = arith.constant 0 : i32
      %dma_wait3A_88 = tpu.memref_slice %arg10[%dma_wait3A_86, %dma_wait3A_87] : memref<10240x128xf32, #tpu.memory_space<vmem_shared>> -> memref<10240x128xf32, #tpu.memory_space<vmem_shared>>
      tpu.wait_indirect_dma semaphore(%run_scoped3A : memref<!tpu.dma_semaphore, #tpu.memory_space<semaphore_mem>>) src(%arg8 : memref<80x128xf32, #tpu.memory_space<vmem>>) dst(%dma_wait3A_88 : memref<10240x128xf32, #tpu.memory_space<vmem_shared>>)
      tpu.yield
    }) : () -> ()
    %barrier3A_78 = arith.constant 0 : index
    tpu.barrier barrier_id(%barrier3A_78)
    %mul3A_79 = arith.constant 640 : i32
    %mul3A_80 = arith.muli %arg1, %mul3A_79 : i32
    %mul3A_81 = arith.constant 640 : i32
    %mul3A_82 = arith.muli %arg1, %mul3A_81 : i32
    "tpu.region"() ({
      %run_scoped3A = tpu.sem_alloc : memref<!tpu.dma_semaphore, #tpu.memory_space<semaphore_mem>>
      %dma_start3A_83 = arith.constant 0 : i32
      %dma_start3A_84 = tpu.memref_slice %arg4[%arg0, %mul3A_82, %dma_start3A_83] : memref<2x10240x128xf32, #tpu.memory_space<hbm>> -> memref<1x640x128xf32, #tpu.memory_space<hbm>>
      %dma_start3A_85 = tpu.memref_squeeze %dma_start3A_84 : memref<1x640x128xf32, #tpu.memory_space<hbm>> -> memref<640x128xf32, #tpu.memory_space<hbm>>
      %dma_start3A_86 = arith.constant 0 : i32
      %dma_start3A_87 = tpu.memref_slice %arg10[%mul3A_80, %dma_start3A_86] : memref<10240x128xf32, #tpu.memory_space<vmem_shared>> -> memref<640x128xf32, #tpu.memory_space<vmem_shared>>
      tpu.enqueue_dma source(%dma_start3A_87 : memref<640x128xf32, #tpu.memory_space<vmem_shared>>) target(%dma_start3A_85 : memref<640x128xf32, #tpu.memory_space<hbm>>) target_semaphore(%run_scoped3A : memref<!tpu.dma_semaphore, #tpu.memory_space<semaphore_mem>>)
      %dma_wait3A_88 = arith.constant 0 : i32
      %dma_wait3A_89 = tpu.memref_slice %arg4[%arg0, %mul3A_82, %dma_wait3A_88] : memref<2x10240x128xf32, #tpu.memory_space<hbm>> -> memref<1x640x128xf32, #tpu.memory_space<hbm>>
      %dma_wait3A_90 = tpu.memref_squeeze %dma_wait3A_89 : memref<1x640x128xf32, #tpu.memory_space<hbm>> -> memref<640x128xf32, #tpu.memory_space<hbm>>
      %dma_wait3A_91 = arith.constant 0 : i32
      %dma_wait3A_92 = tpu.memref_slice %arg10[%mul3A_80, %dma_wait3A_91] : memref<10240x128xf32, #tpu.memory_space<vmem_shared>> -> memref<640x128xf32, #tpu.memory_space<vmem_shared>>
      tpu.wait_dma2 semaphore(%run_scoped3A : memref<!tpu.dma_semaphore, #tpu.memory_space<semaphore_mem>>) src(%dma_wait3A_92 : memref<640x128xf32, #tpu.memory_space<vmem_shared>>) dst(%dma_wait3A_90 : memref<640x128xf32, #tpu.memory_space<hbm>>)
      tpu.yield
    }) : () -> ()
    return
  }
}

module attributes {stable_mosaic.version = 14 : i64} {
  func.func @_mnet_body(%arg0: i32, %arg1: memref<1000x128xf32, #tpu.memory_space<vmem>>, %arg2: memref<128x128xf32, #tpu.memory_space<vmem>>, %arg3: memref<1x128xf32, #tpu.memory_space<vmem>>, %arg4: memref<2x128x128xf32, #tpu.memory_space<vmem>>, %arg5: memref<2x1x128xf32, #tpu.memory_space<vmem>>, %arg6: memref<128x128xf32, #tpu.memory_space<vmem>>, %arg7: memref<1000x128xf32, #tpu.memory_space<vmem>>) attributes {dimension_semantics = [#tpu.dimension_semantics<arbitrary>], iteration_bounds = array<i64: 10>, scalar_prefetch = 0 : i64, scratch_operands = 0 : i64, tpu.core_type = #tpu.core_type<tc>, window_params = [{transform_indices = @transform_0, window_bounds = array<i64: 1000, 128>}, {pipeline_mode = #tpu.pipeline_mode<synchronous>, transform_indices = @transform_1, window_bounds = array<i64: 128, 128>}, {pipeline_mode = #tpu.pipeline_mode<synchronous>, transform_indices = @transform_2, window_bounds = array<i64: 1, 128>}, {pipeline_mode = #tpu.pipeline_mode<synchronous>, transform_indices = @transform_3, window_bounds = array<i64: 2, 128, 128>}, {pipeline_mode = #tpu.pipeline_mode<synchronous>, transform_indices = @transform_4, window_bounds = array<i64: 2, 1, 128>}, {pipeline_mode = #tpu.pipeline_mode<synchronous>, transform_indices = @transform_5, window_bounds = array<i64: 128, 128>}, {transform_indices = @transform_6, window_bounds = array<i64: 1000, 128>}]} {
    %get3A = arith.constant 0 : index
    %get3A_0 = arith.constant 0 : index
    %get3A_1 = vector.load %arg1[%get3A, %get3A_0] : memref<1000x128xf32, #tpu.memory_space<vmem>>, vector<1000x128xf32>
    %get3A_2 = arith.constant 0 : index
    %get3A_3 = arith.constant 0 : index
    %get3A_4 = vector.load %arg2[%get3A_2, %get3A_3] : memref<128x128xf32, #tpu.memory_space<vmem>>, vector<128x128xf32>
    %convert_element_type3A = arith.truncf %get3A_1 : vector<1000x128xf32> to vector<1000x128xbf16>
    %convert_element_type3A_5 = arith.truncf %get3A_4 : vector<128x128xf32> to vector<128x128xbf16>
    %dot_general3A = arith.constant dense<0.000000e+00> : vector<1000x128xf32>
    %dot_general3A_6 = tpu.matmul %convert_element_type3A, %convert_element_type3A_5, %dot_general3A {dimension_numbers = #tpu.dot_dimension_numbers<[1], [1], [0], [0], [0, 0, 1, 0], [], []>, transpose_lhs_hint = false} : vector<1000x128xbf16>, vector<128x128xbf16>, vector<1000x128xf32> -> vector<1000x128xf32>
    %get3A_7 = arith.constant 0 : index
    %get3A_8 = arith.constant 0 : index
    %get3A_9 = vector.load %arg3[%get3A_7, %get3A_8] : memref<1x128xf32, #tpu.memory_space<vmem>>, vector<1x128xf32>
    %add3A = vector.broadcast %get3A_9 : vector<1x128xf32> to vector<1000x128xf32>
    %add3A_10 = arith.addf %dot_general3A_6, %add3A : vector<1000x128xf32>
    %max3A = arith.constant 0.000000e+00 : f32
    %max3A_11 = vector.broadcast %max3A : f32 to vector<1000x128xf32>
    %max3A_12 = arith.maximumf %add3A_10, %max3A_11 : vector<1000x128xf32>
    %get3A_13 = arith.constant 0 : index
    %get3A_14 = arith.constant 0 : index
    %get3A_15 = arith.constant 0 : index
    %get3A_16 = vector.load %arg4[%get3A_13, %get3A_14, %get3A_15] : memref<2x128x128xf32, #tpu.memory_space<vmem>>, vector<1x128x128xf32>
    %get3A_17 = vector.shape_cast %get3A_16 : vector<1x128x128xf32> to vector<128x128xf32>
    %convert_element_type3A_18 = arith.truncf %max3A_12 : vector<1000x128xf32> to vector<1000x128xbf16>
    %convert_element_type3A_19 = arith.truncf %get3A_17 : vector<128x128xf32> to vector<128x128xbf16>
    %dot_general3A_20 = arith.constant dense<0.000000e+00> : vector<1000x128xf32>
    %dot_general3A_21 = tpu.matmul %convert_element_type3A_18, %convert_element_type3A_19, %dot_general3A_20 {dimension_numbers = #tpu.dot_dimension_numbers<[1], [1], [0], [0], [0, 0, 1, 0], [], []>, transpose_lhs_hint = false} : vector<1000x128xbf16>, vector<128x128xbf16>, vector<1000x128xf32> -> vector<1000x128xf32>
    %get3A_22 = arith.constant 0 : index
    %get3A_23 = arith.constant 0 : index
    %get3A_24 = arith.constant 0 : index
    %get3A_25 = vector.load %arg5[%get3A_22, %get3A_23, %get3A_24] : memref<2x1x128xf32, #tpu.memory_space<vmem>>, vector<1x1x128xf32>
    %get3A_26 = vector.shape_cast %get3A_25 : vector<1x1x128xf32> to vector<1x128xf32>
    %add3A_27 = vector.broadcast %get3A_26 : vector<1x128xf32> to vector<1000x128xf32>
    %add3A_28 = arith.addf %dot_general3A_21, %add3A_27 : vector<1000x128xf32>
    %max3A_29 = arith.constant 0.000000e+00 : f32
    %max3A_30 = vector.broadcast %max3A_29 : f32 to vector<1000x128xf32>
    %max3A_31 = arith.maximumf %add3A_28, %max3A_30 : vector<1000x128xf32>
    %add3A_32 = arith.addf %max3A_12, %max3A_31 : vector<1000x128xf32>
    %get3A_33 = arith.constant 1 : index
    %get3A_34 = arith.constant 0 : index
    %get3A_35 = arith.constant 0 : index
    %get3A_36 = vector.load %arg4[%get3A_33, %get3A_34, %get3A_35] : memref<2x128x128xf32, #tpu.memory_space<vmem>>, vector<1x128x128xf32>
    %get3A_37 = vector.shape_cast %get3A_36 : vector<1x128x128xf32> to vector<128x128xf32>
    %convert_element_type3A_38 = arith.truncf %add3A_32 : vector<1000x128xf32> to vector<1000x128xbf16>
    %convert_element_type3A_39 = arith.truncf %get3A_37 : vector<128x128xf32> to vector<128x128xbf16>
    %dot_general3A_40 = arith.constant dense<0.000000e+00> : vector<1000x128xf32>
    %dot_general3A_41 = tpu.matmul %convert_element_type3A_38, %convert_element_type3A_39, %dot_general3A_40 {dimension_numbers = #tpu.dot_dimension_numbers<[1], [1], [0], [0], [0, 0, 1, 0], [], []>, transpose_lhs_hint = false} : vector<1000x128xbf16>, vector<128x128xbf16>, vector<1000x128xf32> -> vector<1000x128xf32>
    %get3A_42 = arith.constant 1 : index
    %get3A_43 = arith.constant 0 : index
    %get3A_44 = arith.constant 0 : index
    %get3A_45 = vector.load %arg5[%get3A_42, %get3A_43, %get3A_44] : memref<2x1x128xf32, #tpu.memory_space<vmem>>, vector<1x1x128xf32>
    %get3A_46 = vector.shape_cast %get3A_45 : vector<1x1x128xf32> to vector<1x128xf32>
    %add3A_47 = vector.broadcast %get3A_46 : vector<1x128xf32> to vector<1000x128xf32>
    %add3A_48 = arith.addf %dot_general3A_41, %add3A_47 : vector<1000x128xf32>
    %max3A_49 = arith.constant 0.000000e+00 : f32
    %max3A_50 = vector.broadcast %max3A_49 : f32 to vector<1000x128xf32>
    %max3A_51 = arith.maximumf %add3A_48, %max3A_50 : vector<1000x128xf32>
    %add3A_52 = arith.addf %add3A_32, %max3A_51 : vector<1000x128xf32>
    %get3A_53 = arith.constant 0 : index
    %get3A_54 = arith.constant 0 : index
    %get3A_55 = vector.load %arg6[%get3A_53, %get3A_54] : memref<128x128xf32, #tpu.memory_space<vmem>>, vector<128x128xf32>
    %convert_element_type3A_56 = arith.truncf %add3A_52 : vector<1000x128xf32> to vector<1000x128xbf16>
    %convert_element_type3A_57 = arith.truncf %get3A_55 : vector<128x128xf32> to vector<128x128xbf16>
    %dot_general3A_58 = arith.constant dense<0.000000e+00> : vector<1000x128xf32>
    %dot_general3A_59 = tpu.matmul %convert_element_type3A_56, %convert_element_type3A_57, %dot_general3A_58 {dimension_numbers = #tpu.dot_dimension_numbers<[1], [1], [0], [0], [0, 0, 1, 0], [], []>, transpose_lhs_hint = false} : vector<1000x128xbf16>, vector<128x128xbf16>, vector<1000x128xf32> -> vector<1000x128xf32>
    %swap3A = arith.constant 0 : index
    %swap3A_60 = arith.constant 0 : index
    %swap3A_61 = vector.load %arg7[%swap3A, %swap3A_60] : memref<1000x128xf32, #tpu.memory_space<vmem>>, vector<1000x128xf32>
    tpu.vector_store %arg7[%swap3A, %swap3A_60], %dot_general3A_59 {strides = array<i32>} : memref<1000x128xf32, #tpu.memory_space<vmem>>, vector<1000x128xf32>,
    return
  }
  func.func @transform_0(%arg0: i32) -> (i32, i32) {
    %c0_i32 = arith.constant 0 : i32
    %c0_i32_0 = arith.constant 0 : i32
    return %arg0, %c0_i32 : i32, i32
  }
  func.func @transform_1(%arg0: i32) -> (i32, i32) {
    %c0_i32 = arith.constant 0 : i32
    %c0_i32_0 = arith.constant 0 : i32
    %c0_i32_1 = arith.constant 0 : i32
    return %c0_i32, %c0_i32_0 : i32, i32
  }
  func.func @transform_2(%arg0: i32) -> (i32, i32) {
    %c0_i32 = arith.constant 0 : i32
    %c0_i32_0 = arith.constant 0 : i32
    %c0_i32_1 = arith.constant 0 : i32
    return %c0_i32, %c0_i32_0 : i32, i32
  }
  func.func @transform_3(%arg0: i32) -> (i32, i32, i32) {
    %c0_i32 = arith.constant 0 : i32
    %c0_i32_0 = arith.constant 0 : i32
    %c0_i32_1 = arith.constant 0 : i32
    %c0_i32_2 = arith.constant 0 : i32
    return %c0_i32, %c0_i32_0, %c0_i32_1 : i32, i32, i32
  }
  func.func @transform_4(%arg0: i32) -> (i32, i32, i32) {
    %c0_i32 = arith.constant 0 : i32
    %c0_i32_0 = arith.constant 0 : i32
    %c0_i32_1 = arith.constant 0 : i32
    %c0_i32_2 = arith.constant 0 : i32
    return %c0_i32, %c0_i32_0, %c0_i32_1 : i32, i32, i32
  }
  func.func @transform_5(%arg0: i32) -> (i32, i32) {
    %c0_i32 = arith.constant 0 : i32
    %c0_i32_0 = arith.constant 0 : i32
    %c0_i32_1 = arith.constant 0 : i32
    return %c0_i32, %c0_i32_0 : i32, i32
  }
  func.func @transform_6(%arg0: i32) -> (i32, i32) {
    %c0_i32 = arith.constant 0 : i32
    %c0_i32_0 = arith.constant 0 : i32
    return %arg0, %c0_i32 : i32, i32
  }
}

module attributes {stable_mosaic.version = 14 : i64} {
  func.func @_update_body(%arg0: i32, %arg1: memref<2x1000x128xf32, #tpu.memory_space<vmem>>, %arg2: memref<128x128xf32, #tpu.memory_space<vmem>>, %arg3: memref<1x128xf32, #tpu.memory_space<vmem>>, %arg4: memref<2x128x128xf32, #tpu.memory_space<vmem>>, %arg5: memref<2x1x128xf32, #tpu.memory_space<vmem>>, %arg6: memref<8x128xf32, #tpu.memory_space<vmem>>, %arg7: memref<128x128xf32, #tpu.memory_space<vmem>>, %arg8: memref<1x128xf32, #tpu.memory_space<vmem>>, %arg9: memref<2x128x128xf32, #tpu.memory_space<vmem>>, %arg10: memref<2x1x128xf32, #tpu.memory_space<vmem>>, %arg11: memref<128x128xf32, #tpu.memory_space<vmem>>, %arg12: memref<128x128xf32, #tpu.memory_space<vmem>>, %arg13: memref<1x128xf32, #tpu.memory_space<vmem>>, %arg14: memref<2x128x128xf32, #tpu.memory_space<vmem>>, %arg15: memref<2x1x128xf32, #tpu.memory_space<vmem>>, %arg16: memref<128x128xf32, #tpu.memory_space<vmem>>, %arg17: memref<1000x128xf32, #tpu.memory_space<vmem>>) attributes {dimension_semantics = [#tpu.dimension_semantics<arbitrary>], iteration_bounds = array<i64: 10>, scalar_prefetch = 0 : i64, scratch_operands = 0 : i64, tpu.core_type = #tpu.core_type<tc>, window_params = [{transform_indices = @transform_0, window_bounds = array<i64: 2, 1000, 128>}, {pipeline_mode = #tpu.pipeline_mode<synchronous>, transform_indices = @transform_1, window_bounds = array<i64: 128, 128>}, {pipeline_mode = #tpu.pipeline_mode<synchronous>, transform_indices = @transform_2, window_bounds = array<i64: 1, 128>}, {pipeline_mode = #tpu.pipeline_mode<synchronous>, transform_indices = @transform_3, window_bounds = array<i64: 2, 128, 128>}, {pipeline_mode = #tpu.pipeline_mode<synchronous>, transform_indices = @transform_4, window_bounds = array<i64: 2, 1, 128>}, {pipeline_mode = #tpu.pipeline_mode<synchronous>, transform_indices = @transform_5, window_bounds = array<i64: 8, 128>}, {pipeline_mode = #tpu.pipeline_mode<synchronous>, transform_indices = @transform_6, window_bounds = array<i64: 128, 128>}, {pipeline_mode = #tpu.pipeline_mode<synchronous>, transform_indices = @transform_7, window_bounds = array<i64: 1, 128>}, {pipeline_mode = #tpu.pipeline_mode<synchronous>, transform_indices = @transform_8, window_bounds = array<i64: 2, 128, 128>}, {pipeline_mode = #tpu.pipeline_mode<synchronous>, transform_indices = @transform_9, window_bounds = array<i64: 2, 1, 128>}, {pipeline_mode = #tpu.pipeline_mode<synchronous>, transform_indices = @transform_10, window_bounds = array<i64: 128, 128>}, {pipeline_mode = #tpu.pipeline_mode<synchronous>, transform_indices = @transform_11, window_bounds = array<i64: 128, 128>}, {pipeline_mode = #tpu.pipeline_mode<synchronous>, transform_indices = @transform_12, window_bounds = array<i64: 1, 128>}, {pipeline_mode = #tpu.pipeline_mode<synchronous>, transform_indices = @transform_13, window_bounds = array<i64: 2, 128, 128>}, {pipeline_mode = #tpu.pipeline_mode<synchronous>, transform_indices = @transform_14, window_bounds = array<i64: 2, 1, 128>}, {pipeline_mode = #tpu.pipeline_mode<synchronous>, transform_indices = @transform_15, window_bounds = array<i64: 128, 128>}, {transform_indices = @transform_16, window_bounds = array<i64: 1000, 128>}]} {
    %get3A = arith.constant 0 : index
    %get3A_0 = arith.constant 0 : index
    %get3A_1 = arith.constant 0 : index
    %get3A_2 = vector.load %arg1[%get3A, %get3A_0, %get3A_1] : memref<2x1000x128xf32, #tpu.memory_space<vmem>>, vector<1x1000x128xf32>
    %get3A_3 = vector.shape_cast %get3A_2 : vector<1x1000x128xf32> to vector<1000x128xf32>
    %get3A_4 = arith.constant 1 : index
    %get3A_5 = arith.constant 0 : index
    %get3A_6 = arith.constant 0 : index
    %get3A_7 = vector.load %arg1[%get3A_4, %get3A_5, %get3A_6] : memref<2x1000x128xf32, #tpu.memory_space<vmem>>, vector<1x1000x128xf32>
    %get3A_8 = vector.shape_cast %get3A_7 : vector<1x1000x128xf32> to vector<1000x128xf32>
    %add3A = arith.addf %get3A_3, %get3A_8 : vector<1000x128xf32>
    %get3A_9 = arith.constant 0 : index
    %get3A_10 = arith.constant 0 : index
    %get3A_11 = vector.load %arg2[%get3A_9, %get3A_10] : memref<128x128xf32, #tpu.memory_space<vmem>>, vector<128x128xf32>
    %convert_element_type3A = arith.truncf %add3A : vector<1000x128xf32> to vector<1000x128xbf16>
    %convert_element_type3A_12 = arith.truncf %get3A_11 : vector<128x128xf32> to vector<128x128xbf16>
    %dot_general3A = arith.constant dense<0.000000e+00> : vector<1000x128xf32>
    %dot_general3A_13 = tpu.matmul %convert_element_type3A, %convert_element_type3A_12, %dot_general3A {dimension_numbers = #tpu.dot_dimension_numbers<[1], [1], [0], [0], [0, 0, 1, 0], [], []>, transpose_lhs_hint = false} : vector<1000x128xbf16>, vector<128x128xbf16>, vector<1000x128xf32> -> vector<1000x128xf32>
    %get3A_14 = arith.constant 0 : index
    %get3A_15 = arith.constant 0 : index
    %get3A_16 = vector.load %arg3[%get3A_14, %get3A_15] : memref<1x128xf32, #tpu.memory_space<vmem>>, vector<1x128xf32>
    %add3A_17 = vector.broadcast %get3A_16 : vector<1x128xf32> to vector<1000x128xf32>
    %add3A_18 = arith.addf %dot_general3A_13, %add3A_17 : vector<1000x128xf32>
    %neg3A = arith.constant 0.000000e+00 : f32
    %neg3A_19 = vector.broadcast %neg3A : f32 to vector<1000x128xf32>
    %neg3A_20 = arith.subf %neg3A_19, %add3A_18 : vector<1000x128xf32>
    %exp3A = math.exp %neg3A_20 : vector<1000x128xf32>
    %add3A_21 = arith.constant 1.000000e+00 : f32
    %add3A_22 = vector.broadcast %add3A_21 : f32 to vector<1000x128xf32>
    %add3A_23 = arith.addf %add3A_22, %exp3A : vector<1000x128xf32>
    %div3A = arith.constant 1.000000e+00 : f32
    %div3A_24 = vector.broadcast %div3A : f32 to vector<1000x128xf32>
    %div3A_25 = arith.divf %div3A_24, %add3A_23 : vector<1000x128xf32>
    %get3A_26 = arith.constant 0 : index
    %get3A_27 = arith.constant 0 : index
    %get3A_28 = arith.constant 0 : index
    %get3A_29 = vector.load %arg4[%get3A_26, %get3A_27, %get3A_28] : memref<2x128x128xf32, #tpu.memory_space<vmem>>, vector<1x128x128xf32>
    %get3A_30 = vector.shape_cast %get3A_29 : vector<1x128x128xf32> to vector<128x128xf32>
    %convert_element_type3A_31 = arith.truncf %div3A_25 : vector<1000x128xf32> to vector<1000x128xbf16>
    %convert_element_type3A_32 = arith.truncf %get3A_30 : vector<128x128xf32> to vector<128x128xbf16>
    %dot_general3A_33 = arith.constant dense<0.000000e+00> : vector<1000x128xf32>
    %dot_general3A_34 = tpu.matmul %convert_element_type3A_31, %convert_element_type3A_32, %dot_general3A_33 {dimension_numbers = #tpu.dot_dimension_numbers<[1], [1], [0], [0], [0, 0, 1, 0], [], []>, transpose_lhs_hint = false} : vector<1000x128xbf16>, vector<128x128xbf16>, vector<1000x128xf32> -> vector<1000x128xf32>
    %get3A_35 = arith.constant 0 : index
    %get3A_36 = arith.constant 0 : index
    %get3A_37 = arith.constant 0 : index
    %get3A_38 = vector.load %arg5[%get3A_35, %get3A_36, %get3A_37] : memref<2x1x128xf32, #tpu.memory_space<vmem>>, vector<1x1x128xf32>
    %get3A_39 = vector.shape_cast %get3A_38 : vector<1x1x128xf32> to vector<1x128xf32>
    %add3A_40 = vector.broadcast %get3A_39 : vector<1x128xf32> to vector<1000x128xf32>
    %add3A_41 = arith.addf %dot_general3A_34, %add3A_40 : vector<1000x128xf32>
    %neg3A_42 = arith.constant 0.000000e+00 : f32
    %neg3A_43 = vector.broadcast %neg3A_42 : f32 to vector<1000x128xf32>
    %neg3A_44 = arith.subf %neg3A_43, %add3A_41 : vector<1000x128xf32>
    %exp3A_45 = math.exp %neg3A_44 : vector<1000x128xf32>
    %add3A_46 = arith.constant 1.000000e+00 : f32
    %add3A_47 = vector.broadcast %add3A_46 : f32 to vector<1000x128xf32>
    %add3A_48 = arith.addf %add3A_47, %exp3A_45 : vector<1000x128xf32>
    %div3A_49 = arith.constant 1.000000e+00 : f32
    %div3A_50 = vector.broadcast %div3A_49 : f32 to vector<1000x128xf32>
    %div3A_51 = arith.divf %div3A_50, %add3A_48 : vector<1000x128xf32>
    %get3A_52 = arith.constant 1 : index
    %get3A_53 = arith.constant 0 : index
    %get3A_54 = arith.constant 0 : index
    %get3A_55 = vector.load %arg4[%get3A_52, %get3A_53, %get3A_54] : memref<2x128x128xf32, #tpu.memory_space<vmem>>, vector<1x128x128xf32>
    %get3A_56 = vector.shape_cast %get3A_55 : vector<1x128x128xf32> to vector<128x128xf32>
    %convert_element_type3A_57 = arith.truncf %div3A_51 : vector<1000x128xf32> to vector<1000x128xbf16>
    %convert_element_type3A_58 = arith.truncf %get3A_56 : vector<128x128xf32> to vector<128x128xbf16>
    %dot_general3A_59 = arith.constant dense<0.000000e+00> : vector<1000x128xf32>
    %dot_general3A_60 = tpu.matmul %convert_element_type3A_57, %convert_element_type3A_58, %dot_general3A_59 {dimension_numbers = #tpu.dot_dimension_numbers<[1], [1], [0], [0], [0, 0, 1, 0], [], []>, transpose_lhs_hint = false} : vector<1000x128xbf16>, vector<128x128xbf16>, vector<1000x128xf32> -> vector<1000x128xf32>
    %get3A_61 = arith.constant 1 : index
    %get3A_62 = arith.constant 0 : index
    %get3A_63 = arith.constant 0 : index
    %get3A_64 = vector.load %arg5[%get3A_61, %get3A_62, %get3A_63] : memref<2x1x128xf32, #tpu.memory_space<vmem>>, vector<1x1x128xf32>
    %get3A_65 = vector.shape_cast %get3A_64 : vector<1x1x128xf32> to vector<1x128xf32>
    %add3A_66 = vector.broadcast %get3A_65 : vector<1x128xf32> to vector<1000x128xf32>
    %add3A_67 = arith.addf %dot_general3A_60, %add3A_66 : vector<1000x128xf32>
    %neg3A_68 = arith.constant 0.000000e+00 : f32
    %neg3A_69 = vector.broadcast %neg3A_68 : f32 to vector<1000x128xf32>
    %neg3A_70 = arith.subf %neg3A_69, %add3A_67 : vector<1000x128xf32>
    %exp3A_71 = math.exp %neg3A_70 : vector<1000x128xf32>
    %add3A_72 = arith.constant 1.000000e+00 : f32
    %add3A_73 = vector.broadcast %add3A_72 : f32 to vector<1000x128xf32>
    %add3A_74 = arith.addf %add3A_73, %exp3A_71 : vector<1000x128xf32>
    %div3A_75 = arith.constant 1.000000e+00 : f32
    %div3A_76 = vector.broadcast %div3A_75 : f32 to vector<1000x128xf32>
    %div3A_77 = arith.divf %div3A_76, %add3A_74 : vector<1000x128xf32>
    %get3A_78 = arith.constant 0 : index
    %get3A_79 = arith.constant 0 : index
    %get3A_80 = vector.load %arg6[%get3A_78, %get3A_79] : memref<8x128xf32, #tpu.memory_space<vmem>>, vector<8x128xf32>
    %convert_element_type3A_81 = arith.truncf %div3A_77 : vector<1000x128xf32> to vector<1000x128xbf16>
    %convert_element_type3A_82 = arith.truncf %get3A_80 : vector<8x128xf32> to vector<8x128xbf16>
    %dot_general3A_83 = arith.constant dense<0.000000e+00> : vector<1000x8xf32>
    %dot_general3A_84 = tpu.matmul %convert_element_type3A_81, %convert_element_type3A_82, %dot_general3A_83 {dimension_numbers = #tpu.dot_dimension_numbers<[1], [1], [0], [0], [0, 0, 1, 0], [], []>, transpose_lhs_hint = false} : vector<1000x128xbf16>, vector<8x128xbf16>, vector<1000x8xf32> -> vector<1000x8xf32>
    %slice3A = vector.extract_strided_slice %dot_general3A_84 {offsets = [0, 0], sizes = [1000, 1], strides = [1, 1]} : vector<1000x8xf32> to vector<1000x1xf32>
    %get3A_85 = arith.constant 0 : index
    %get3A_86 = arith.constant 0 : index
    %get3A_87 = vector.load %arg7[%get3A_85, %get3A_86] : memref<128x128xf32, #tpu.memory_space<vmem>>, vector<128x128xf32>
    %convert_element_type3A_88 = arith.truncf %add3A : vector<1000x128xf32> to vector<1000x128xbf16>
    %convert_element_type3A_89 = arith.truncf %get3A_87 : vector<128x128xf32> to vector<128x128xbf16>
    %dot_general3A_90 = arith.constant dense<0.000000e+00> : vector<1000x128xf32>
    %dot_general3A_91 = tpu.matmul %convert_element_type3A_88, %convert_element_type3A_89, %dot_general3A_90 {dimension_numbers = #tpu.dot_dimension_numbers<[1], [1], [0], [0], [0, 0, 1, 0], [], []>, transpose_lhs_hint = false} : vector<1000x128xbf16>, vector<128x128xbf16>, vector<1000x128xf32> -> vector<1000x128xf32>
    %get3A_92 = arith.constant 0 : index
    %get3A_93 = arith.constant 0 : index
    %get3A_94 = vector.load %arg8[%get3A_92, %get3A_93] : memref<1x128xf32, #tpu.memory_space<vmem>>, vector<1x128xf32>
    %add3A_95 = vector.broadcast %get3A_94 : vector<1x128xf32> to vector<1000x128xf32>
    %add3A_96 = arith.addf %dot_general3A_91, %add3A_95 : vector<1000x128xf32>
    %max3A = arith.constant 0.000000e+00 : f32
    %max3A_97 = vector.broadcast %max3A : f32 to vector<1000x128xf32>
    %max3A_98 = arith.maximumf %add3A_96, %max3A_97 : vector<1000x128xf32>
    %get3A_99 = arith.constant 0 : index
    %get3A_100 = arith.constant 0 : index
    %get3A_101 = arith.constant 0 : index
    %get3A_102 = vector.load %arg9[%get3A_99, %get3A_100, %get3A_101] : memref<2x128x128xf32, #tpu.memory_space<vmem>>, vector<1x128x128xf32>
    %get3A_103 = vector.shape_cast %get3A_102 : vector<1x128x128xf32> to vector<128x128xf32>
    %convert_element_type3A_104 = arith.truncf %max3A_98 : vector<1000x128xf32> to vector<1000x128xbf16>
    %convert_element_type3A_105 = arith.truncf %get3A_103 : vector<128x128xf32> to vector<128x128xbf16>
    %dot_general3A_106 = arith.constant dense<0.000000e+00> : vector<1000x128xf32>
    %dot_general3A_107 = tpu.matmul %convert_element_type3A_104, %convert_element_type3A_105, %dot_general3A_106 {dimension_numbers = #tpu.dot_dimension_numbers<[1], [1], [0], [0], [0, 0, 1, 0], [], []>, transpose_lhs_hint = false} : vector<1000x128xbf16>, vector<128x128xbf16>, vector<1000x128xf32> -> vector<1000x128xf32>
    %get3A_108 = arith.constant 0 : index
    %get3A_109 = arith.constant 0 : index
    %get3A_110 = arith.constant 0 : index
    %get3A_111 = vector.load %arg10[%get3A_108, %get3A_109, %get3A_110] : memref<2x1x128xf32, #tpu.memory_space<vmem>>, vector<1x1x128xf32>
    %get3A_112 = vector.shape_cast %get3A_111 : vector<1x1x128xf32> to vector<1x128xf32>
    %add3A_113 = vector.broadcast %get3A_112 : vector<1x128xf32> to vector<1000x128xf32>
    %add3A_114 = arith.addf %dot_general3A_107, %add3A_113 : vector<1000x128xf32>
    %max3A_115 = arith.constant 0.000000e+00 : f32
    %max3A_116 = vector.broadcast %max3A_115 : f32 to vector<1000x128xf32>
    %max3A_117 = arith.maximumf %add3A_114, %max3A_116 : vector<1000x128xf32>
    %add3A_118 = arith.addf %max3A_98, %max3A_117 : vector<1000x128xf32>
    %get3A_119 = arith.constant 1 : index
    %get3A_120 = arith.constant 0 : index
    %get3A_121 = arith.constant 0 : index
    %get3A_122 = vector.load %arg9[%get3A_119, %get3A_120, %get3A_121] : memref<2x128x128xf32, #tpu.memory_space<vmem>>, vector<1x128x128xf32>
    %get3A_123 = vector.shape_cast %get3A_122 : vector<1x128x128xf32> to vector<128x128xf32>
    %convert_element_type3A_124 = arith.truncf %add3A_118 : vector<1000x128xf32> to vector<1000x128xbf16>
    %convert_element_type3A_125 = arith.truncf %get3A_123 : vector<128x128xf32> to vector<128x128xbf16>
    %dot_general3A_126 = arith.constant dense<0.000000e+00> : vector<1000x128xf32>
    %dot_general3A_127 = tpu.matmul %convert_element_type3A_124, %convert_element_type3A_125, %dot_general3A_126 {dimension_numbers = #tpu.dot_dimension_numbers<[1], [1], [0], [0], [0, 0, 1, 0], [], []>, transpose_lhs_hint = false} : vector<1000x128xbf16>, vector<128x128xbf16>, vector<1000x128xf32> -> vector<1000x128xf32>
    %get3A_128 = arith.constant 1 : index
    %get3A_129 = arith.constant 0 : index
    %get3A_130 = arith.constant 0 : index
    %get3A_131 = vector.load %arg10[%get3A_128, %get3A_129, %get3A_130] : memref<2x1x128xf32, #tpu.memory_space<vmem>>, vector<1x1x128xf32>
    %get3A_132 = vector.shape_cast %get3A_131 : vector<1x1x128xf32> to vector<1x128xf32>
    %add3A_133 = vector.broadcast %get3A_132 : vector<1x128xf32> to vector<1000x128xf32>
    %add3A_134 = arith.addf %dot_general3A_127, %add3A_133 : vector<1000x128xf32>
    %max3A_135 = arith.constant 0.000000e+00 : f32
    %max3A_136 = vector.broadcast %max3A_135 : f32 to vector<1000x128xf32>
    %max3A_137 = arith.maximumf %add3A_134, %max3A_136 : vector<1000x128xf32>
    %add3A_138 = arith.addf %add3A_118, %max3A_137 : vector<1000x128xf32>
    %get3A_139 = arith.constant 0 : index
    %get3A_140 = arith.constant 0 : index
    %get3A_141 = vector.load %arg11[%get3A_139, %get3A_140] : memref<128x128xf32, #tpu.memory_space<vmem>>, vector<128x128xf32>
    %convert_element_type3A_142 = arith.truncf %add3A_138 : vector<1000x128xf32> to vector<1000x128xbf16>
    %convert_element_type3A_143 = arith.truncf %get3A_141 : vector<128x128xf32> to vector<128x128xbf16>
    %dot_general3A_144 = arith.constant dense<0.000000e+00> : vector<1000x128xf32>
    %dot_general3A_145 = tpu.matmul %convert_element_type3A_142, %convert_element_type3A_143, %dot_general3A_144 {dimension_numbers = #tpu.dot_dimension_numbers<[1], [1], [0], [0], [0, 0, 1, 0], [], []>, transpose_lhs_hint = false} : vector<1000x128xbf16>, vector<128x128xbf16>, vector<1000x128xf32> -> vector<1000x128xf32>
    %get3A_146 = arith.constant 0 : index
    %get3A_147 = arith.constant 0 : index
    %get3A_148 = vector.load %arg12[%get3A_146, %get3A_147] : memref<128x128xf32, #tpu.memory_space<vmem>>, vector<128x128xf32>
    %convert_element_type3A_149 = arith.truncf %add3A : vector<1000x128xf32> to vector<1000x128xbf16>
    %convert_element_type3A_150 = arith.truncf %get3A_148 : vector<128x128xf32> to vector<128x128xbf16>
    %dot_general3A_151 = arith.constant dense<0.000000e+00> : vector<1000x128xf32>
    %dot_general3A_152 = tpu.matmul %convert_element_type3A_149, %convert_element_type3A_150, %dot_general3A_151 {dimension_numbers = #tpu.dot_dimension_numbers<[1], [1], [0], [0], [0, 0, 1, 0], [], []>, transpose_lhs_hint = false} : vector<1000x128xbf16>, vector<128x128xbf16>, vector<1000x128xf32> -> vector<1000x128xf32>
    %get3A_153 = arith.constant 0 : index
    %get3A_154 = arith.constant 0 : index
    %get3A_155 = vector.load %arg13[%get3A_153, %get3A_154] : memref<1x128xf32, #tpu.memory_space<vmem>>, vector<1x128xf32>
    %add3A_156 = vector.broadcast %get3A_155 : vector<1x128xf32> to vector<1000x128xf32>
    %add3A_157 = arith.addf %dot_general3A_152, %add3A_156 : vector<1000x128xf32>
    %max3A_158 = arith.constant 0.000000e+00 : f32
    %max3A_159 = vector.broadcast %max3A_158 : f32 to vector<1000x128xf32>
    %max3A_160 = arith.maximumf %add3A_157, %max3A_159 : vector<1000x128xf32>
    %get3A_161 = arith.constant 0 : index
    %get3A_162 = arith.constant 0 : index
    %get3A_163 = arith.constant 0 : index
    %get3A_164 = vector.load %arg14[%get3A_161, %get3A_162, %get3A_163] : memref<2x128x128xf32, #tpu.memory_space<vmem>>, vector<1x128x128xf32>
    %get3A_165 = vector.shape_cast %get3A_164 : vector<1x128x128xf32> to vector<128x128xf32>
    %convert_element_type3A_166 = arith.truncf %max3A_160 : vector<1000x128xf32> to vector<1000x128xbf16>
    %convert_element_type3A_167 = arith.truncf %get3A_165 : vector<128x128xf32> to vector<128x128xbf16>
    %dot_general3A_168 = arith.constant dense<0.000000e+00> : vector<1000x128xf32>
    %dot_general3A_169 = tpu.matmul %convert_element_type3A_166, %convert_element_type3A_167, %dot_general3A_168 {dimension_numbers = #tpu.dot_dimension_numbers<[1], [1], [0], [0], [0, 0, 1, 0], [], []>, transpose_lhs_hint = false} : vector<1000x128xbf16>, vector<128x128xbf16>, vector<1000x128xf32> -> vector<1000x128xf32>
    %get3A_170 = arith.constant 0 : index
    %get3A_171 = arith.constant 0 : index
    %get3A_172 = arith.constant 0 : index
    %get3A_173 = vector.load %arg15[%get3A_170, %get3A_171, %get3A_172] : memref<2x1x128xf32, #tpu.memory_space<vmem>>, vector<1x1x128xf32>
    %get3A_174 = vector.shape_cast %get3A_173 : vector<1x1x128xf32> to vector<1x128xf32>
    %add3A_175 = vector.broadcast %get3A_174 : vector<1x128xf32> to vector<1000x128xf32>
    %add3A_176 = arith.addf %dot_general3A_169, %add3A_175 : vector<1000x128xf32>
    %max3A_177 = arith.constant 0.000000e+00 : f32
    %max3A_178 = vector.broadcast %max3A_177 : f32 to vector<1000x128xf32>
    %max3A_179 = arith.maximumf %add3A_176, %max3A_178 : vector<1000x128xf32>
    %get3A_180 = arith.constant 1 : index
    %get3A_181 = arith.constant 0 : index
    %get3A_182 = arith.constant 0 : index
    %get3A_183 = vector.load %arg14[%get3A_180, %get3A_181, %get3A_182] : memref<2x128x128xf32, #tpu.memory_space<vmem>>, vector<1x128x128xf32>
    %get3A_184 = vector.shape_cast %get3A_183 : vector<1x128x128xf32> to vector<128x128xf32>
    %convert_element_type3A_185 = arith.truncf %max3A_179 : vector<1000x128xf32> to vector<1000x128xbf16>
    %convert_element_type3A_186 = arith.truncf %get3A_184 : vector<128x128xf32> to vector<128x128xbf16>
    %dot_general3A_187 = arith.constant dense<0.000000e+00> : vector<1000x128xf32>
    %dot_general3A_188 = tpu.matmul %convert_element_type3A_185, %convert_element_type3A_186, %dot_general3A_187 {dimension_numbers = #tpu.dot_dimension_numbers<[1], [1], [0], [0], [0, 0, 1, 0], [], []>, transpose_lhs_hint = false} : vector<1000x128xbf16>, vector<128x128xbf16>, vector<1000x128xf32> -> vector<1000x128xf32>
    %get3A_189 = arith.constant 1 : index
    %get3A_190 = arith.constant 0 : index
    %get3A_191 = arith.constant 0 : index
    %get3A_192 = vector.load %arg15[%get3A_189, %get3A_190, %get3A_191] : memref<2x1x128xf32, #tpu.memory_space<vmem>>, vector<1x1x128xf32>
    %get3A_193 = vector.shape_cast %get3A_192 : vector<1x1x128xf32> to vector<1x128xf32>
    %add3A_194 = vector.broadcast %get3A_193 : vector<1x128xf32> to vector<1000x128xf32>
    %add3A_195 = arith.addf %dot_general3A_188, %add3A_194 : vector<1000x128xf32>
    %max3A_196 = arith.constant 0.000000e+00 : f32
    %max3A_197 = vector.broadcast %max3A_196 : f32 to vector<1000x128xf32>
    %max3A_198 = arith.maximumf %add3A_195, %max3A_197 : vector<1000x128xf32>
    %get3A_199 = arith.constant 0 : index
    %get3A_200 = arith.constant 0 : index
    %get3A_201 = vector.load %arg16[%get3A_199, %get3A_200] : memref<128x128xf32, #tpu.memory_space<vmem>>, vector<128x128xf32>
    %convert_element_type3A_202 = arith.truncf %max3A_198 : vector<1000x128xf32> to vector<1000x128xbf16>
    %convert_element_type3A_203 = arith.truncf %get3A_201 : vector<128x128xf32> to vector<128x128xbf16>
    %dot_general3A_204 = arith.constant dense<0.000000e+00> : vector<1000x128xf32>
    %dot_general3A_205 = tpu.matmul %convert_element_type3A_202, %convert_element_type3A_203, %dot_general3A_204 {dimension_numbers = #tpu.dot_dimension_numbers<[1], [1], [0], [0], [0, 0, 1, 0], [], []>, transpose_lhs_hint = false} : vector<1000x128xbf16>, vector<128x128xbf16>, vector<1000x128xf32> -> vector<1000x128xf32>
    %mul3A = arith.mulf %dot_general3A_205, %add3A : vector<1000x128xf32>
    %add3A_206 = arith.addf %dot_general3A_145, %mul3A : vector<1000x128xf32>
    %mul3A_207 = vector.broadcast %slice3A : vector<1000x1xf32> to vector<1000x128xf32>
    %mul3A_208 = arith.mulf %mul3A_207, %add3A_206 : vector<1000x128xf32>
    %swap3A = arith.constant 0 : index
    %swap3A_209 = arith.constant 0 : index
    %swap3A_210 = vector.load %arg17[%swap3A, %swap3A_209] : memref<1000x128xf32, #tpu.memory_space<vmem>>, vector<1000x128xf32>
    tpu.vector_store %arg17[%swap3A, %swap3A_209], %mul3A_208 {strides = array<i32>} : memref<1000x128xf32, #tpu.memory_space<vmem>>, vector<1000x128xf32>,
    return
  }
  func.func @transform_0(%arg0: i32) -> (i32, i32, i32) {
    %c0_i32 = arith.constant 0 : i32
    %c0_i32_0 = arith.constant 0 : i32
    %c0_i32_1 = arith.constant 0 : i32
    return %c0_i32, %arg0, %c0_i32_0 : i32, i32, i32
  }
  func.func @transform_1(%arg0: i32) -> (i32, i32) {
    %c0_i32 = arith.constant 0 : i32
    %c0_i32_0 = arith.constant 0 : i32
    %c0_i32_1 = arith.constant 0 : i32
    return %c0_i32, %c0_i32_0 : i32, i32
  }
  func.func @transform_2(%arg0: i32) -> (i32, i32) {
    %c0_i32 = arith.constant 0 : i32
    %c0_i32_0 = arith.constant 0 : i32
    %c0_i32_1 = arith.constant 0 : i32
    return %c0_i32, %c0_i32_0 : i32, i32
  }
  func.func @transform_3(%arg0: i32) -> (i32, i32, i32) {
    %c0_i32 = arith.constant 0 : i32
    %c0_i32_0 = arith.constant 0 : i32
    %c0_i32_1 = arith.constant 0 : i32
    %c0_i32_2 = arith.constant 0 : i32
    return %c0_i32, %c0_i32_0, %c0_i32_1 : i32, i32, i32
  }
  func.func @transform_4(%arg0: i32) -> (i32, i32, i32) {
    %c0_i32 = arith.constant 0 : i32
    %c0_i32_0 = arith.constant 0 : i32
    %c0_i32_1 = arith.constant 0 : i32
    %c0_i32_2 = arith.constant 0 : i32
    return %c0_i32, %c0_i32_0, %c0_i32_1 : i32, i32, i32
  }
  func.func @transform_5(%arg0: i32) -> (i32, i32) {
    %c0_i32 = arith.constant 0 : i32
    %c0_i32_0 = arith.constant 0 : i32
    %c0_i32_1 = arith.constant 0 : i32
    return %c0_i32, %c0_i32_0 : i32, i32
  }
  func.func @transform_6(%arg0: i32) -> (i32, i32) {
    %c0_i32 = arith.constant 0 : i32
    %c0_i32_0 = arith.constant 0 : i32
    %c0_i32_1 = arith.constant 0 : i32
    return %c0_i32, %c0_i32_0 : i32, i32
  }
  func.func @transform_7(%arg0: i32) -> (i32, i32) {
    %c0_i32 = arith.constant 0 : i32
    %c0_i32_0 = arith.constant 0 : i32
    %c0_i32_1 = arith.constant 0 : i32
    return %c0_i32, %c0_i32_0 : i32, i32
  }
  func.func @transform_8(%arg0: i32) -> (i32, i32, i32) {
    %c0_i32 = arith.constant 0 : i32
    %c0_i32_0 = arith.constant 0 : i32
    %c0_i32_1 = arith.constant 0 : i32
    %c0_i32_2 = arith.constant 0 : i32
    return %c0_i32, %c0_i32_0, %c0_i32_1 : i32, i32, i32
  }
  func.func @transform_9(%arg0: i32) -> (i32, i32, i32) {
    %c0_i32 = arith.constant 0 : i32
    %c0_i32_0 = arith.constant 0 : i32
    %c0_i32_1 = arith.constant 0 : i32
    %c0_i32_2 = arith.constant 0 : i32
    return %c0_i32, %c0_i32_0, %c0_i32_1 : i32, i32, i32
  }
  func.func @transform_10(%arg0: i32) -> (i32, i32) {
    %c0_i32 = arith.constant 0 : i32
    %c0_i32_0 = arith.constant 0 : i32
    %c0_i32_1 = arith.constant 0 : i32
    return %c0_i32, %c0_i32_0 : i32, i32
  }
  func.func @transform_11(%arg0: i32) -> (i32, i32) {
    %c0_i32 = arith.constant 0 : i32
    %c0_i32_0 = arith.constant 0 : i32
    %c0_i32_1 = arith.constant 0 : i32
    return %c0_i32, %c0_i32_0 : i32, i32
  }
  func.func @transform_12(%arg0: i32) -> (i32, i32) {
    %c0_i32 = arith.constant 0 : i32
    %c0_i32_0 = arith.constant 0 : i32
    %c0_i32_1 = arith.constant 0 : i32
    return %c0_i32, %c0_i32_0 : i32, i32
  }
  func.func @transform_13(%arg0: i32) -> (i32, i32, i32) {
    %c0_i32 = arith.constant 0 : i32
    %c0_i32_0 = arith.constant 0 : i32
    %c0_i32_1 = arith.constant 0 : i32
    %c0_i32_2 = arith.constant 0 : i32
    return %c0_i32, %c0_i32_0, %c0_i32_1 : i32, i32, i32
  }
  func.func @transform_14(%arg0: i32) -> (i32, i32, i32) {
    %c0_i32 = arith.constant 0 : i32
    %c0_i32_0 = arith.constant 0 : i32
    %c0_i32_1 = arith.constant 0 : i32
    %c0_i32_2 = arith.constant 0 : i32
    return %c0_i32, %c0_i32_0, %c0_i32_1 : i32, i32, i32
  }
  func.func @transform_15(%arg0: i32) -> (i32, i32) {
    %c0_i32 = arith.constant 0 : i32
    %c0_i32_0 = arith.constant 0 : i32
    %c0_i32_1 = arith.constant 0 : i32
    return %c0_i32, %c0_i32_0 : i32, i32
  }
  func.func @transform_16(%arg0: i32) -> (i32, i32) {
    %c0_i32 = arith.constant 0 : i32
    %c0_i32_0 = arith.constant 0 : i32
    return %arg0, %c0_i32 : i32, i32
  }
}

</mosaic_0001>

<sc_bundles>
// kernel: kernel.5.cloned.1.call-start
scs
__scs_entry_jumppad:
0x0: {  	(pc) =	sbr.rel $0x88, $3  }
0x1: {  	(tag) =	ssettag $0x0;
	lr =	simm.s32 $0x1  }
0x2: {  	[smem:$0x3F8B] =	sst lr;
	_ =	strace $0xD0000000  }
0x3: {  	_ = 	snop  }
0x4: {  	_ = 	snop  }
0x5: {  	_ = 	snop  }
0x6: {  	_ = 	snop  }
0x7: {  	_ = 	snop  }
__scs_overlays_trampoline_lowered:
0x8: {  	[smem:$0x3F9A] =	sst s0  }
0x9: {  	[smem:$0x3F9B] =	sst s1  }
0xa: {  	[smem:$0x3F9C] =	sst s2  }
0xb: {  	[smem:$0x3F9D] =	sst s3  }
0xc: {  	[smem:$0x3F9E] =	sst s4  }
0xd: {  	[smem:$0x3F9F] =	sst s5  }
0xe: {  	[smem:$0x3FA0] =	sst s6  }
0xf: {  	[smem:$0x3FA1] =	sst s7  }
0x10: {  	[smem:$0x3FA2] =	sst s8  }
0x11: {  	[smem:$0x3FA3] =	sst s9;
	s0 =	simm.s32 @!p0 $0x0  }
0x12: {  	s1 =	sld [smem:$0x3F89];
	s0 =	simm.s32 @p0 $0x1  }
0x13: {  	[smem:$0x3FA4] =	sst s0;
	s0 =	simm.s32 @!p1 $0x0  }
0x14: {  	s2 =	sld [smem:$0x3F88];
	s0 =	simm.s32 @p1 $0x1  }
0x15: {  	[smem:$0x3FA5] =	sst s0;
	s0 =	simm.s32 @!p2 $0x0  }
0x16: {  	s3 =	sld [smem:$0x3FDB];
	s0 =	simm.s32 @p2 $0x1  }
0x17: {  	s4 =	simm.s32 $0x1BF5;
	[smem:$0x3FA7] =	sst s0  }
0x18: {  	s0 =	sld [smem:$0x3F8A];
	_ =	swait.ge [sflag:s4], $0x0  }
0x19: {  	s7 =	sld [smem:$0x3F8B]  }
0x1a: {  	s8 =	sadd.s32 $0xFFFFE003, lr  }
0x1b: {  	s9 =	sadd.s32 $0xFFFFFEF7, lr;
	s5 =	simm.s32 $0xFFFFFFFF;
	p2 =	slt.u32 s8, $0xFFFFF086  }
0x1c: {  	p1 =	slt.u32 s9, $0xF7A;
	s5 =	simm.s32 @!p2 $0x0  }
0x1d: {  	s5 =	simm.s32 @p1 $0x1;
	p0 =	seq.s32 s7, s2  }
0x1e: {  	s7 =	smul.u32 @!p0 $0xF7A, s2;
	p2 =	seq.s32 @!p0 s5, $0x0  }
0x1f: {  	s9 =	smul.u32 $0xF7A, s1;
	s8 =	simm.s32 @!p0 $0x1BF5;
	p2 =	por !p2, p0  }
0x20: {  	[sflag:s8] =	ssyncset.s32 @!p0 $0xFFFFF086;
	s6 =	sadd.s32 @!p0 s3, s7;
	s7 =	simm.s32 @!p0 $0x108  }
0x21: {  	s3 =	sadd.s32 s3, s9;
	s6 =	sadd.s32 @!p0 $0x88, s6;
	s7 =	simm.s32 @p2 $0x1082  }
0x22: {  	[simem:s7], [sflag:s8] =	dma.local @!p0 [hbm:s6], $0xF7A  }
0x23: {  	s9 =	sor.u32 $0xD0000000, s2;
	s6 =	simm.s32 $0x108;
	_ =	swait.ge @!p0 [sflag:s8], $0x0  }
0x24: {  	s3 =	sadd.s32 $0x88, s3;
	s6 =	simm.s32 @!p1 $0x1082;
	[sflag:s4] =	ssyncset.s32 $0xFFFFF086  }
0x25: {  	[simem:s6], [sflag:s4] =	dma.local [hbm:s3], $0xF7A  }
0x26: {  	[smem:$0x3F8B] =	sst s1;
	(tag) =	ssettag s2;
	_ =	strace s9  }
0x27: {  	s1 =	sld [smem:$0x3F9B]  }
0x28: {  	s2 =	sld [smem:$0x3F9C]  }
0x29: {  	s4 =	sld [smem:$0x3F9E]  }
0x2a: {  	p0 =	seq.s32 s5, $0x0;
	s5 =	sld [smem:$0x3F9F]  }
0x2b: {  	s6 =	sld [smem:$0x3FA0]  }
0x2c: {  	s7 =	sld [smem:$0x3FA1]  }
0x2d: {  	s3 =	simm.s32 $0x108;
	s8 =	sld [smem:$0x3FA2]  }
0x2e: {  	s3 =	simm.s32 @!p0 $0x1082;
	s9 =	sld [smem:$0x3FA3]  }
0x2f: {  	lr =	sadd.s32 s0, s3;
	s0 =	sld [smem:$0x3F9A]  }
0x30: {  	s3 =	sld [smem:$0x3F9D]  }
0x31: {  	[smem:$0x3FA6] =	sst s10  }
0x32: {  	s10 =	sld [smem:$0x3FA4];
	_ =	sdelay $0x3  }
0x33: {  	p0 =	seq.s32 s10, $0x1;
	s10 =	sld [smem:$0x3FA6];
	_ =	sdelay $0x3  }
0x34: {  	[smem:$0x3FA6] =	sst s10  }
0x35: {  	s10 =	sld [smem:$0x3FA5];
	_ =	sdelay $0x3  }
0x36: {  	p1 =	seq.s32 s10, $0x1;
	s10 =	sld [smem:$0x3FA6];
	_ =	sdelay $0x3  }
0x37: {  	[smem:$0x3FA6] =	sst s10  }
0x38: {  	s10 =	sld [smem:$0x3FA7]  }
0x39: {  	_ = 	snop;
	(pc) =	sbr.ind lr, $3  }
0x3a: {  	_ = 	snop  }
0x3b: {  	_ = 	snop  }
0x3c: {  	p2 =	seq.s32 s10, $0x1;
	s10 =	sld [smem:$0x3FA6]  }
0x3d: {  	_ =	shalt  }
0x3e: {  	_ =	shalt  }
0x3f: {  	_ =	shalt  }
0x40: {  	_ =	shalt  }
0x41: {  	_ =	shalt  }
0x42: {  	_ =	shalt  }
0x43: {  	_ =	shalt  }
0x44: {  	_ =	shalt  }
0x45: {  	_ =	shalt  }
0x46: {  	_ =	shalt  }
0x47: {  	_ =	shalt  }
0x48: {  	_ =	shalt  }
0x49: {  	_ =	shalt  }
0x4a: {  	_ =	shalt  }
0x4b: {  	_ =	shalt  }
0x4c: {  	_ =	shalt  }
0x4d: {  	_ =	shalt  }
0x4e: {  	_ =	shalt  }
0x4f: {  	_ =	shalt  }
0x50: {  	_ =	shalt  }
0x51: {  	_ =	shalt  }
0x52: {  	_ =	shalt  }
0x53: {  	_ =	shalt  }
0x54: {  	_ =	shalt  }
0x55: {  	_ =	shalt  }
0x56: {  	_ =	shalt  }
0x57: {  	_ =	shalt  }
0x58: {  	_ =	shalt  }
0x59: {  	_ =	shalt  }
0x5a: {  	_ =	shalt  }
0x5b: {  	_ =	shalt  }
0x5c: {  	_ =	shalt  }
0x5d: {  	_ =	shalt  }
0x5e: {  	_ =	shalt  }
0x5f: {  	_ =	shalt  }
0x60: {  	_ =	shalt  }
0x61: {  	_ =	shalt  }
0x62: {  	_ =	shalt  }
0x63: {  	_ =	shalt  }
0x64: {  	_ =	shalt  }
0x65: {  	_ =	shalt  }
0x66: {  	_ =	shalt  }
0x67: {  	_ =	shalt  }
0x68: {  	_ =	shalt  }
0x69: {  	_ =	shalt  }
0x6a: {  	_ =	shalt  }
0x6b: {  	_ =	shalt  }
0x6c: {  	_ =	shalt  }
0x6d: {  	_ =	shalt  }
0x6e: {  	_ =	shalt  }
0x6f: {  	_ =	shalt  }
0x70: {  	_ =	shalt  }
0x71: {  	_ =	shalt  }
0x72: {  	_ =	shalt  }
0x73: {  	_ =	shalt  }
0x74: {  	_ =	shalt  }
0x75: {  	_ =	shalt  }
0x76: {  	_ =	shalt  }
0x77: {  	_ =	shalt  }
0x78: {  	_ =	shalt  }
0x79: {  	_ =	shalt  }
0x7a: {  	_ =	shalt  }
0x7b: {  	_ =	shalt  }
0x7c: {  	_ =	shalt  }
0x7d: {  	_ =	shalt  }
0x7e: {  	_ =	shalt  }
0x7f: {  	_ =	shalt  }
0x80: {  	_ =	shalt  }
0x81: {  	_ =	shalt  }
0x82: {  	_ =	shalt  }
0x83: {  	_ =	shalt  }
0x84: {  	_ =	shalt  }
0x85: {  	_ =	shalt  }
0x86: {  	_ =	shalt  }
0x87: {  	_ =	shalt  }
.Lfunc_end0:
.L_simem_size_0:
called_computation_lowered:
.L_overlay_start_0:
0x88: {  	s2 =	sld [smem:$0x3FD9]  }
0x89: {  	s3 =	sld [smem:$0x3FFE];
	_ =	sdelay $0x1  }
0x8a: {  	s1 =	srdreg.scid  }
0x8b: {  	s0 =	sand.u32 $0x1, s1  }
0x8c: {  	s17 =	sshll.u32 s0, $0xA;
	s2 =	sadd.s32 s3, s2  }
0x8d: {  	s2 =	sadd.s32 s2, s17  }
0x8e: {  	[smem:$0x3FB2] =	sst s2  }
0x8f: {  	_ = 	snop  }
0x90: {  	s2 =	sld [smem:$0x3FD0];
	(tm) =	ssettm $0x1  }
0x91: {  	s18 =	sld [smem:$0x3FFB];
	_ =	sdelay $0x3  }
0x92: {  	_ =	strace s18  }
0x93: {  	s3 =	sld [smem:$0x3FFC];
	_ =	sdelay $0x3  }
0x94: {  	_ =	strace s3  }
0x95: {  	s3 =	sld [smem:$0x3FFD];
	_ =	sdelay $0x3  }
0x96: {  	_ =	strace s3  }
0x97: {  	_ =	strace $0x8FFFFFFF  }
0x98: {  	s19 =	sld [smem:$0x3FDB];
	_ =	sdelay $0x1  }
0x99: {  	s4 =	simm.s32 $_scs_section_size  }
0x9a: {  	s5 =	simm.s32 $_size__tile_overlayer_lowered;
	s6 =	simm.s32 $_tile_overlayer_lowered  }
0x9b: {  	s22 =	simm.s32 $0x1BFF;
	s21 =	sshll.u32 s6, $0x1;
	s3 =	sadd.s32 s4, s19  }
0x9c: {  	s7 =	simm.s32 $0x0;
	s20 =	sshll.u32 s5, $0x1;
	s5 =	sadd.s32 s21, s3  }
0x9d: {  	[timem:s7], [sflag:s22] =	dma.local [hbm:s5], s20  }
0x9e: {  	_ =	swait.ge [sflag:s22], s20  }
0x9f: {  	s4 =	ssub.s32 $0x0, s20;
	[sflag:s22] =	ssyncset.done $0x0  }
0xa0: {  	[sflag:s22] =	ssyncadd.s32 s4;
	_ =	sdelay $0x1  }
0xa1: {  	s23 =	simm.s32 $0x1B8B  }
0xa2: {  	_ =	swait.ge [sflag:s23], $0x1  }
0xa3: {  	[sflag:s23] =	ssyncset.done $0x0  }
0xa4: {  	s25 =	simm.s32 $0x1B8E;
	s24 =	sld [smem:$0x3FFE];
	[sflag:s23] =	ssyncadd.s32 $0xFFFFFFFF  }
0xa5: {  	s26 =	simm.s32 $execute0_lowered;
	[smem:$0x3FD2] =	sst s25  }
0xa6: {  	s5 =	sshll.u32 s26, $0x1;
	_ =	strace $0x80000046;
	[dreg:$0x1] =	wrdreg $0xFFFFFFFF  }
0xa7: {  	s28 =	simm.s32 $_size_execute0_lowered;
	s3 =	sadd.s32 s3, s5;
	[dreg:$0x0] =	wrdreg $0x0  }
0xa8: {  	s5 =	sshll.u32 s28, $0x1;
	[dreg:$0x2] =	wrdreg s3  }
0xa9: {  	[dreg:$0x3] =	wrdreg s5  }
0xaa: {  	[dreg:$0x4] =	wrdreg $0xC0  }
0xab: {  	_ =	task [dreg:s7], $0x5FFFF  }
0xac: {  	[dreg:$0x1] =	wrdreg $0xFFFFFFFF  }
0xad: {  	[dreg:$0x0] =	wrdreg $0x60  }
0xae: {  	[dreg:$0x2] =	wrdreg s2  }
0xaf: {  	[dreg:$0x3] =	wrdreg s24  }
0xb0: {  	[dreg:$0x4] =	wrdreg $0x78800  }
0xb1: {  	[dreg:$0x5] =	wrdreg $0x9  }
0xb2: {  	_ =	task.clear_ibuf [dreg:s7], $0x6FFFF;
	_ =	strace $0x90000046  }
0xb3: {  	s29 =	simm.s32 $0x9;
	_ =	strace $0x80000048  }
0xb4: {  	_ =	swait.ge [sflag:s29], $0x1  }
0xb5: {  	[sflag:s29] =	ssyncadd.s32 $0xFFFFFFFF  }
0xb6: {  	_ =	strace $0x90000048  }
0xb7: {  	_ =	sfence  }
0xb8: {  	s30 =	sld [smem:$0x0];
	_ =	sdelay $0x2  }
0xb9: {  	s31 =	sshll.u32 s1, $0xD;
	s1 =	sshrl.u32 s1, $0x2  }
0xba: {  	s3 =	sand.u32 $0x4000, s31;
	s1 =	sadd.s32 s1, s30  }
0xbb: {  	s0 =	sor.u32 s3, s0;
	s1 =	sshll.u32 s1, $0x11  }
0xbc: {  	s0 =	sor.u32 s1, s0  }
0xbd: {  	s0 =	sadd.s32 $0x8F2B, s0  }
0xbe: {  	[sflag:s0] =	ssyncadd.remote.s32 $0x1  }
0xbf: {  	_ =	sfence.sel $0xFFFF  }
0xc0: {  	[dreg:$0x0] =	wrdreg $0xFFFFFFFF;
	(pc) =	sbr.abs _section_cstart, $3  }
0xc1: {  	[dreg:$0x1] =	wrdreg $0xFFFFFFFF  }
0xc2: {  	_ =	task.clear_ibuf [dreg:s7], $0x2FFFF;
	_ =	strace $0x9FFFFFFF  }
0xc3: {  	(tm) =	ssettm $0x7FFFFFFF  }
tec
execute0_lowered:
.L_overlay_start_1:
0x0: {  	(tag) =	ssettag $0x1  }
0x1: {  	s1 =	rddreg [dreg:$0x0]  }
0x2: {  	s0 =	srdreg.scid;
	s2 =	rddreg [dreg:$0x1]  }
0x3: {  	s10 =	stileid.u32;
	s3 =	rddreg [dreg:$0x2]  }
0x4: {  	s4 =	simm.s32 $0x0;
	s28 =	simm.s32 $0x5080;
	s6 =	smul.u32 $0x14000, s10  }
0x5: {  	s29 =	simm.s32 $0x3;
	s30 =	simm.s32 $0x4;
	s20 =	smul.u32 $0x50000, s10  }
0x6: {  	s31 =	simm.s32 $0x2;
	s0 =	sand.u32 $0x1, s0;
	s25 =	smul.u32 $0x2710, s10  }
0x7: {  	[smem:$0x7FF] =	sst s4;
	s8 =	sadd.s32 $0x3200, s2;
	s5 =	smul.u32 $0x140000, s0  }
0x8: {  	s7 =	sshll.u32 s0, $0x4;
	_ =	strace $0x80000047;
	s21 =	ssub.s32 $0x2, s0  }
0x9: {  	s0 =	smul.u32 $0x27100, s0;
	s7 =	sor.u32 s10, s7;
	s9 =	sshrl.u32 s21, $0x1  }
0xa: {  	s5 =	sadd.s32 s6, s5;
	s19 =	smul.u32 $0x2710, s7;
	s7 =	sshrl.u32 s20, $0x2  }
0xb: {  	s17 =	ssub.s32 s21, s9;
	s0 =	sadd.s32 s25, s0;
	s21 =	simm.s32 $0x2880  }
0xc: {  	s25 =	simm.s32 $0x50;
	s5 =	sshrl.u32 s5, $0x3;
	s26 =	sadd.s32 $0x4E2F0, s0  }
0xd: {  	s0 =	sadd.s32 $0x4E2A0, s0;
	s17 =	smax.u32 s17, $0x1;
	s6 =	sshrl.u32 s19, $0x3  }
0xe: {  	s2 =	sadd.s32 s5, s2;
	s0 =	sshrl.u32 s0, $0x3;
	s5 =	sadd.s32 s8, s6  }
0xf: {  	s6 =	sadd.s32 s7, s3;
	s16 =	sadd.s32 $0x16C00, s2;
	s2 =	sshrl.u32 s26, $0x3  }
0x10: {  	s20 =	sadd.s32 s0, s8;
	s26 =	simm.s32 $0x2800;
	s0 =	simm.s32 $0x0  }
0x11: {  	s7 =	sadd.s32 $0x2800, s6;
	s22 =	sadd.s32 $0x5000, s6;
	s23 =	sadd.s32 $0x7800, s6  }
0x12: {  	s24 =	sadd.s32 $0xA000, s6;
	s11 =	sadd.s32 $0xC800, s6;
	[dreg:$0x4] =	wrdreg s7  }
0x13: {  	s12 =	sadd.s32 $0xF000, s6;
	s13 =	sadd.s32 $0x11800, s6;
	[dreg:$0x5] =	wrdreg s22  }
0x14: {  	s14 =	sadd.s32 $0x9C40, s5;
	s15 =	sadd.s32 $0x9C4A, s5;
	[dreg:$0x6] =	wrdreg s23  }
0x15: {  	s18 =	sadd.s32 $0xA118, s5;
	s19 =	sadd.s32 s2, s8;
	[dreg:$0x7] =	wrdreg s24  }
0x16: {  	v0 =	vimm.f32 $0.0e+00;
	s22 =	simm.s32 $0x5;
	s23 =	simm.s32 $0x1;
	s24 =	simm.s32 $0x2780  }
.LBB2_1:
0x17: {  	[tilespmem:s4], [sflag:$0x1] =	stream.linear.gather [hbm4b:s5+s4], $0x2710, $0x38;
	[tilespmem:$0x1B880] =	vst v63  }
0x18: {  	s2 =	simm.s32 $0x0;
	s7 =	simm.s32 $0x200  }
.LBB2_2:
0x19: {  	p0 =	sne.s32 s7, $0x9E00;
	[tilespmem:s2+$0x28F0] =	vst v0  }
0x1a: {  	[tilespmem:s2+$0x2880] =	vst v0  }
0x1b: {  	[tilespmem:s2+$0x2890] =	vst v0  }
.Ltmp0:
0x1c: {  	[tilespmem:s2+$0x28A0] =	vst v0;
	(pc) =	sbr.rel @p0 .LBB2_2-.Ltmp0, $4  }
0x1d: {  	[tilespmem:s2+$0x28B0] =	vst v0  }
0x1e: {  	[tilespmem:s2+$0x28C0] =	vst v0  }
0x1f: {  	[tilespmem:s2+$0x28D0] =	vst v0  }
0x20: {  	[tilespmem:s2+$0x28E0] =	vst v0;
	s2 =	sshra.s32 s7, $0x2;
	s7 =	sadd.s32 $0x200, s7  }
0x21: {  	[tilespmem:s2+$0x28F0] =	vst v0  }
0x22: {  	[tilespmem:s2+$0x2880] =	vst v0  }
0x23: {  	[tilespmem:s2+$0x2890] =	vst v0  }
0x24: {  	[tilespmem:s2+$0x28A0] =	vst v0  }
0x25: {  	[tilespmem:s2+$0x28B0] =	vst v0  }
0x26: {  	[tilespmem:s2+$0x28C0] =	vst v0  }
0x27: {  	[tilespmem:s2+$0x28D0] =	vst v0  }
0x28: {  	[tilespmem:s2+$0x28E0] =	vst v0  }
0x29: {  	[spmem:s6] =	stream.linear.scatter [tilespmem:s21], [sflag:$0x5], $0x2800, $0x38;
	[tilespmem:$0x1B880] =	vst v63  }
0x2a: {  	_ =	swait.ge [sflag:s22], $0x2800  }
0x2b: {  	[sflag:s22] =	ssyncset.done $0x0  }
0x2c: {  	s7 =	rddreg [dreg:$0x4];
	[sflag:s22] =	ssyncadd.s32 $0xFFFFD800  }
0x2d: {  	[spmem:s7] =	stream.linear.scatter [tilespmem:s21], [sflag:$0x5], $0x2800, $0x38;
	[tilespmem:$0x1B880] =	vst v63  }
0x2e: {  	_ =	swait.ge [sflag:s22], $0x2800  }
0x2f: {  	[sflag:s22] =	ssyncset.done $0x0  }
0x30: {  	s8 =	rddreg [dreg:$0x5];
	[sflag:s22] =	ssyncadd.s32 $0xFFFFD800  }
0x31: {  	[spmem:s8] =	stream.linear.scatter [tilespmem:s21], [sflag:$0x5], $0x2800, $0x38;
	[tilespmem:$0x1B880] =	vst v63  }
0x32: {  	_ =	swait.ge [sflag:s22], $0x2800  }
0x33: {  	[sflag:s22] =	ssyncset.done $0x0  }
0x34: {  	s9 =	rddreg [dreg:$0x6];
	[sflag:s22] =	ssyncadd.s32 $0xFFFFD800  }
0x35: {  	[spmem:s9] =	stream.linear.scatter [tilespmem:s21], [sflag:$0x5], $0x2800, $0x38;
	[tilespmem:$0x1B880] =	vst v63  }
0x36: {  	_ =	swait.ge [sflag:s22], $0x2800  }
0x37: {  	[sflag:s22] =	ssyncset.done $0x0  }
0x38: {  	s10 =	rddreg [dreg:$0x7];
	[sflag:s22] =	ssyncadd.s32 $0xFFFFD800  }
0x39: {  	[spmem:s10] =	stream.linear.scatter [tilespmem:s21], [sflag:$0x5], $0x2800, $0x38;
	[tilespmem:$0x1B880] =	vst v63  }
0x3a: {  	_ =	swait.ge [sflag:s22], $0x2800  }
0x3b: {  	[sflag:s22] =	ssyncset.done $0x0  }
0x3c: {  	[sflag:s22] =	ssyncadd.s32 $0xFFFFD800  }
0x3d: {  	[spmem:s11] =	stream.linear.scatter [tilespmem:s21], [sflag:$0x5], $0x2800, $0x38;
	[tilespmem:$0x1B880] =	vst v63  }
0x3e: {  	_ =	swait.ge [sflag:s22], $0x2800  }
0x3f: {  	[sflag:s22] =	ssyncset.done $0x0  }
0x40: {  	[sflag:s22] =	ssyncadd.s32 $0xFFFFD800  }
0x41: {  	[spmem:s12] =	stream.linear.scatter [tilespmem:s21], [sflag:$0x5], $0x2800, $0x38;
	[tilespmem:$0x1B880] =	vst v63  }
0x42: {  	_ =	swait.ge [sflag:s22], $0x2800  }
0x43: {  	[sflag:s22] =	ssyncset.done $0x0  }
0x44: {  	[sflag:s22] =	ssyncadd.s32 $0xFFFFD800  }
0x45: {  	[spmem:s13] =	stream.linear.scatter [tilespmem:s21], [sflag:$0x5], $0x2800, $0x38;
	[tilespmem:$0x1B880] =	vst v63  }
0x46: {  	_ =	swait.ge [sflag:s22], $0x2800  }
0x47: {  	[sflag:s22] =	ssyncset.done $0x0  }
0x48: {  	[sflag:s22] =	ssyncadd.s32 $0xFFFFD800  }
0x49: {  	_ =	swait.ge [sflag:s23], $0x2710  }
0x4a: {  	[sflag:s23] =	ssyncset.done $0x0  }
0x4b: {  	[sflag:s23] =	ssyncadd.s32 $0xFFFFD8F0  }
0x4c: {  	s7 =	simm.s32 $0x0;
	[bflag:$0x0] =	sbarrier.arrive $0xFFFF  }
0x4d: {  	[tilespmem:s24], [sflag:$0x1] =	stream.linear.gather [hbm4b:s14+s7], $0x50, $0x38;
	[tilespmem:$0x1B880] =	vst v63  }
0x4e: {  	_ = 	snop  }
0x4f: {  	[tilespmem:s21], [sflag:$0x3] =	stream.indirect.gather [hbm4b:s1+s25], $0x80, s7, s25, $0xb8;
	[tilespmem:$0x1B880] =	vst v63  }
0x50: {  	_ = 	snop  }
0x51: {  	[tilespmem:s26], [sflag:$0x2] =	stream.linear.gather [hbm4b:s15+s7], $0x50, $0x38;
	[tilespmem:$0x1B880] =	vst v63  }
0x52: {  	_ = 	snop  }
0x53: {  	[tilespmem:s28], [sflag:$0x4] =	stream.indirect.gather [hbm4b:s1+s25], $0x80, s25, s25, $0xb8;
	[tilespmem:$0x1B880] =	vst v63  }
0x54: {  	_ =	swait.ge [sflag:s29], $0x2800  }
0x55: {  	[sflag:s29] =	ssyncset.done $0x0  }
0x56: {  	[sflag:s29] =	ssyncadd.s32 $0xFFFFD800  }
0x57: {  	_ =	swait.ge [sflag:s23], $0x50  }
0x58: {  	[sflag:s23] =	ssyncset.done $0x0  }
0x59: {  	[sflag:s23] =	ssyncadd.s32 $0xFFFFFFB0  }
0x5a: {  	[spmem:s3] =	stream.indirect.scatter.add.f32 [tilespmem:s21], [sflag:$0x5], $0x80, s24, s25, $0xb8;
	[tilespmem:$0x1B880] =	vst v63  }
0x5b: {  	_ =	swait.ge [sflag:s22], $0x2800  }
0x5c: {  	[sflag:s22] =	ssyncset.done $0x0  }
0x5d: {  	s8 =	sadd.s32 $0x0, s20;
	[sflag:s22] =	ssyncadd.s32 $0xFFFFD800  }
0x5e: {  	[tilespmem:s24], [sflag:$0x1] =	stream.linear.gather [hbm4b:s8+s4], $0x50, $0x38;
	[tilespmem:$0x1B880] =	vst v63  }
0x5f: {  	s9 =	simm.s32 $0xA0  }
0x60: {  	[tilespmem:s21], [sflag:$0x3] =	stream.indirect.gather [hbm4b:s1+s25], $0x80, s9, s25, $0xb8;
	[tilespmem:$0x1B880] =	vst v63  }
0x61: {  	_ =	swait.ge [sflag:s30], $0x2800  }
0x62: {  	[sflag:s30] =	ssyncset.done $0x0  }
0x63: {  	[sflag:s30] =	ssyncadd.s32 $0xFFFFD800  }
0x64: {  	_ =	swait.ge [sflag:s31], $0x50  }
0x65: {  	[sflag:s31] =	ssyncset.done $0x0  }
0x66: {  	[sflag:s31] =	ssyncadd.s32 $0xFFFFFFB0  }
0x67: {  	[spmem:s3] =	stream.indirect.scatter.add.f32 [tilespmem:s28], [sflag:$0x5], $0x80, s26, s25, $0xb8;
	[tilespmem:$0x1B880] =	vst v63  }
0x68: {  	_ =	swait.ge [sflag:s22], $0x2800  }
0x69: {  	s2 =	simm.s32 $0xF0;
	s10 =	sadd.s32 $0x0, s19;
	[sflag:s22] =	ssyncset.done $0x0  }
0x6a: {  	s7 =	simm.s32 $0x14;
	s8 =	simm.s32 $0x190;
	[sflag:s22] =	ssyncadd.s32 $0xFFFFD800  }
0x6b: {  	[tilespmem:s26], [sflag:$0x2] =	stream.linear.gather [hbm4b:s10+s4], $0x50, $0x38;
	[tilespmem:$0x1B880] =	vst v63  }
.LBB2_4:
0x6c: {  	[tilespmem:s28], [sflag:$0x4] =	stream.indirect.gather [hbm4b:s1+s25], $0x80, s2, s25, $0xb8;
	[tilespmem:$0x1B880] =	vst v63  }
0x6d: {  	s9 =	smov.u32 s7;
	s2 =	smov.u32 s8  }
0x6e: {  	p0 =	sne.s32 s7, $0x4B0;
	s7 =	sadd.s32 $0x14, s7;
	_ =	swait.ge [sflag:s29], $0x2800  }
0x6f: {  	[sflag:s29] =	ssyncset.done $0x0  }
0x70: {  	[sflag:s29] =	ssyncadd.s32 $0xFFFFD800  }
0x71: {  	_ =	swait.ge [sflag:s23], $0x50  }
0x72: {  	[sflag:s23] =	ssyncset.done $0x0  }
0x73: {  	[sflag:s23] =	ssyncadd.s32 $0xFFFFFFB0  }
0x74: {  	[spmem:s3] =	stream.indirect.scatter.add.f32 [tilespmem:s21], [sflag:$0x5], $0x80, s24, s25, $0xb8;
	[tilespmem:$0x1B880] =	vst v63  }
0x75: {  	_ =	swait.ge [sflag:s22], $0x2800  }
0x76: {  	[sflag:s22] =	ssyncset.done $0x0  }
0x77: {  	s10 =	sadd.s32 s9, s20;
	[sflag:s22] =	ssyncadd.s32 $0xFFFFD800  }
0x78: {  	[tilespmem:s24], [sflag:$0x1] =	stream.linear.gather [hbm4b:s10+s4], $0x50, $0x38;
	[tilespmem:$0x1B880] =	vst v63  }
0x79: {  	s10 =	sadd.s32 $0xFFFFFFB0, s8  }
0x7a: {  	[tilespmem:s21], [sflag:$0x3] =	stream.indirect.gather [hbm4b:s1+s25], $0x80, s10, s25, $0xb8;
	[tilespmem:$0x1B880] =	vst v63  }
0x7b: {  	_ =	swait.ge [sflag:s30], $0x2800  }
0x7c: {  	[sflag:s30] =	ssyncset.done $0x0  }
0x7d: {  	[sflag:s30] =	ssyncadd.s32 $0xFFFFD800  }
0x7e: {  	_ =	swait.ge [sflag:s31], $0x50  }
0x7f: {  	[sflag:s31] =	ssyncset.done $0x0  }
0x80: {  	[sflag:s31] =	ssyncadd.s32 $0xFFFFFFB0  }
0x81: {  	[spmem:s3] =	stream.indirect.scatter.add.f32 [tilespmem:s28], [sflag:$0x5], $0x80, s26, s25, $0xb8;
	[tilespmem:$0x1B880] =	vst v63  }
.Ltmp1:
0x82: {  	_ =	swait.ge [sflag:s22], $0x2800;
	(pc) =	sbr.rel @p0 .LBB2_4-.Ltmp1, $4  }
0x83: {  	[sflag:s22] =	ssyncset.done $0x0  }
0x84: {  	s9 =	sadd.s32 s9, s19;
	[sflag:s22] =	ssyncadd.s32 $0xFFFFD800  }
0x85: {  	[tilespmem:s26], [sflag:$0x2] =	stream.linear.gather [hbm4b:s9+s4], $0x50, $0x38;
	[tilespmem:$0x1B880] =	vst v63  }
0x86: {  	s8 =	sadd.s32 $0xA0, s8  }
0x87: {  	[tilespmem:s28], [sflag:$0x4] =	stream.indirect.gather [hbm4b:s1+s25], $0x80, s2, s25, $0xb8;
	[tilespmem:$0x1B880] =	vst v63  }
0x88: {  	_ =	swait.ge [sflag:s29], $0x2800  }
0x89: {  	[sflag:s29] =	ssyncset.done $0x0  }
0x8a: {  	[sflag:s29] =	ssyncadd.s32 $0xFFFFD800  }
0x8b: {  	_ =	swait.ge [sflag:s23], $0x50  }
0x8c: {  	[sflag:s23] =	ssyncset.done $0x0  }
0x8d: {  	[sflag:s23] =	ssyncadd.s32 $0xFFFFFFB0  }
0x8e: {  	[spmem:s3] =	stream.indirect.scatter.add.f32 [tilespmem:s21], [sflag:$0x5], $0x80, s24, s25, $0xb8;
	[tilespmem:$0x1B880] =	vst v63  }
0x8f: {  	_ =	swait.ge [sflag:s22], $0x2800  }
0x90: {  	[sflag:s22] =	ssyncset.done $0x0  }
0x91: {  	[sflag:s22] =	ssyncadd.s32 $0xFFFFD800  }
0x92: {  	[tilespmem:s24], [sflag:$0x1] =	stream.linear.gather [hbm4b:s18+s4], $0x50, $0x38;
	[tilespmem:$0x1B880] =	vst v63  }
0x93: {  	s9 =	simm.s32 $0x26C0  }
0x94: {  	[tilespmem:s21], [sflag:$0x3] =	stream.indirect.gather [hbm4b:s1+s25], $0x80, s9, s25, $0xb8;
	[tilespmem:$0x1B880] =	vst v63  }
0x95: {  	_ =	swait.ge [sflag:s30], $0x2800  }
0x96: {  	[sflag:s30] =	ssyncset.done $0x0  }
0x97: {  	[sflag:s30] =	ssyncadd.s32 $0xFFFFD800  }
0x98: {  	_ =	swait.ge [sflag:s31], $0x50  }
0x99: {  	[sflag:s31] =	ssyncset.done $0x0  }
0x9a: {  	[sflag:s31] =	ssyncadd.s32 $0xFFFFFFB0  }
0x9b: {  	[spmem:s3] =	stream.indirect.scatter.add.f32 [tilespmem:s28], [sflag:$0x5], $0x80, s26, s25, $0xb8;
	[tilespmem:$0x1B880] =	vst v63  }
0x9c: {  	_ =	swait.ge [sflag:s22], $0x2800  }
0x9d: {  	[sflag:s22] =	ssyncset.done $0x0  }
0x9e: {  	[sflag:s22] =	ssyncadd.s32 $0xFFFFD800  }
0x9f: {  	_ =	swait.ge [sflag:s29], $0x2800  }
0xa0: {  	[sflag:s29] =	ssyncset.done $0x0  }
0xa1: {  	[sflag:s29] =	ssyncadd.s32 $0xFFFFD800  }
0xa2: {  	_ =	swait.ge [sflag:s23], $0x50  }
0xa3: {  	[sflag:s23] =	ssyncset.done $0x0  }
0xa4: {  	[sflag:s23] =	ssyncadd.s32 $0xFFFFFFB0  }
0xa5: {  	[spmem:s3] =	stream.indirect.scatter.add.f32 [tilespmem:s21], [sflag:$0x5], $0x80, s24, s25, $0xb8;
	[tilespmem:$0x1B880] =	vst v63  }
0xa6: {  	s10 =	stileid.u32;
	_ =	swait.ge [sflag:s22], $0x2800  }
0xa7: {  	s7 =	sshrl.u32 s6, $0x3;
	s0 =	sadd.s32 $0x1, s0;
	[sflag:s22] =	ssyncset.done $0x0  }
0xa8: {  	s2 =	sshll.u32 s10, $0x6;
	p0 =	sne.s32 s0, s17;
	[sflag:s22] =	ssyncadd.s32 $0xFFFFD800  }
.Ltmp2:
0xa9: {  	s2 =	sor.u32 $0x1C05, s2;
	[bflag:$0x0] =	sbarrier.arrive $0xFFFF;
	(pc) =	sbr.rel @p0 .LBB2_1-.Ltmp2, $4  }
0xaa: {  	[hbm:s16], [sflag:s2] =	dma.local [spmem:s7], $0x2800  }
0xab: {  	_ =	swait.ge [sflag:s22], $0x2800  }
0xac: {  	[sflag:s22] =	ssyncset.done $0x0  }
0xad: {  	[sflag:s22] =	ssyncadd.s32 $0xFFFFD800  }
0xae: {  	_ =	sfence.sel $0x180000  }
0xaf: {  	[bflag:$0x0] =	sbarrier.arrive $0xFFFF  }
0xb0: {  	_ =	strace $0x90000047  }
0xb1: {  	s0 =	stileid.u32;
	[bflag:$0x2] =	sbarrier.arrive $0xFFFF  }
0xb2: {  	p0 =	sne.s32 s0, $0x0;
	s0 =	rddreg [dreg:$0x3]  }
0xb3: {  	s0 =	sadd.s32 @!p0 $0x100000, s0  }
0xb4: {  	[sflag:s0] =	ssyncadd.tile.s32 @!p0 $0x1;
	_ =	shalt  }
.Lfunc_end2:
_tile_overlayer_lowered:
.L_overlay_start_2:
0xb5: {  	(tag) =	ssettag $0x2  }
0xb6: {  	s0 =	rddreg [dreg:$0x0];
	s2 =	stileid.u32  }
0xb7: {  	s1 =	rddreg [dreg:$0x1];
	p0 =	sne.s32 s2, $0x0  }
0xb8: {  	s3 =	rddreg [dreg:$0x2];
	[bflag:$0x3] =	sbarrier.arrive $0xFFFF;
	s2 =	simm.s32 @!p0 $0x1C05  }
0xb9: {  	[timem:s3], [sflag:s2] =	dma.local @!p0 [hbm:s0], s1  }
0xba: {  	s0 =	simm.s32 @!p0 $0x5  }
0xbb: {  	_ =	swait.ge @!p0 [sflag:s0], s1  }
0xbc: {  	s1 =	ssub.s32 @!p0 $0x0, s1;
	[sflag:s0] =	ssyncset.done @!p0 $0x0  }
0xbd: {  	[sflag:s0] =	ssyncadd.s32 @!p0 s1  }
0xbe: {  	[bflag:$0x3] =	sbarrier.arrive $0xFFFF  }
0xbf: {  	_ =	shalt  }

</sc_bundles>
